<compile_context>
chip_gen: v7x
topology: tpu7x:2x2x1
jax: 0.10.2.dev20260603
libtpu: 0.0.44.dev20260713+nightly
codegen_flags: <defaults>
</compile_context>

<pallas_src>
import functools

import jax
import jax.numpy as jnp
from jax import lax
from jax.experimental import pallas as pl
from jax.experimental.pallas import tpu as pltpu
from jax.experimental.pallas import tpu_sc as plsc

_NC = 2
_NS = 16
_NW = _NC * _NS
_LANES = 16

def _vreg_gather(v, c):
    return lax.gather(
        v, c[:, None],
        dimension_numbers=lax.GatherDimensionNumbers(
            offset_dims=(), collapsed_slice_dims=(0,), start_index_map=(0,)),
        slice_sizes=(1,),
        mode=lax.GatherScatterMode.PROMISE_IN_BOUNDS)


def _sc_gather_mul(F0, F1, idx_flat):
    B = idx_flat.shape[0] // 2
    K = F0.shape[1]
    b_per_w = B // _NW
    nchunk = b_per_w // _LANES
    rows_c = _LANES
    mesh = plsc.VectorSubcoreMesh(core_axis_name="c", subcore_axis_name="s")

    @functools.partial(
        pl.kernel,
        mesh=mesh,
        out_type=jax.ShapeDtypeStruct((B, K), jnp.float32),
        scratch_types=[
            pltpu.VMEM((2 * b_per_w,), jnp.int32),
            pltpu.VMEM((b_per_w,), jnp.int32),
            pltpu.VMEM((b_per_w,), jnp.int32),
            pltpu.VMEM((b_per_w, K), jnp.float32),
            pltpu.VMEM((b_per_w, K), jnp.float32),
            pltpu.SemaphoreType.DMA,
        ]
        + [pltpu.SemaphoreType.DMA] * (2 * nchunk)
        + [pltpu.SemaphoreType.DMA] * nchunk,
    )
    def sc_kernel(idx_hbm, f0_hbm, f1_hbm, out_hbm,
                  ia_v, i0_v, i1_v, r0_v, r1_v, sem_i, *sems):
        g_sems = sems[: 2 * nchunk]
        w_sems = sems[2 * nchunk:]
        wid = lax.axis_index("s") * _NC + lax.axis_index("c")
        base = wid * b_per_w
        pltpu.sync_copy(idx_hbm.at[pl.ds(2 * base, 2 * b_per_w)], ia_v)

        lane = lax.iota(jnp.int32, _LANES)
        c_ev = (lane * 2) % _LANES
        c_od = (lane * 2 + 1) % _LANES
        low = lane < (_LANES // 2)

        pending = []
        for c in range(nchunk):
            lo = c * rows_c
            v0 = ia_v[pl.ds(2 * lo, _LANES)]
            v1 = ia_v[pl.ds(2 * lo + _LANES, _LANES)]
            i0_v[pl.ds(lo, rows_c)] = jnp.where(
                low, _vreg_gather(v0, c_ev), _vreg_gather(v1, c_ev))
            i1_v[pl.ds(lo, rows_c)] = jnp.where(
                low, _vreg_gather(v0, c_od), _vreg_gather(v1, c_od))
            g0 = pltpu.async_copy(f0_hbm.at[i0_v.at[pl.ds(lo, rows_c)]],
                                  r0_v.at[pl.ds(lo, rows_c)], g_sems[2 * c])
            g1 = pltpu.async_copy(f1_hbm.at[i1_v.at[pl.ds(lo, rows_c)]],
                                  r1_v.at[pl.ds(lo, rows_c)], g_sems[2 * c + 1])
            pending.append((g0, g1))

        writes = []
        for c in range(nchunk):
            lo = c * rows_c
            pending[c][0].wait()
            pending[c][1].wait()

            writes.append(pltpu.async_copy(
                r0_v.at[pl.ds(lo, rows_c)],
                out_hbm.at[pl.ds(base + lo, rows_c)], w_sems[c]))
        for w in writes:
            w.wait()

    return sc_kernel(idx_flat, F0, F1)


def _tc_matmul_t_chunk(prod_c, F2, acc, chunk, n_chunks):
    Bc, K = prod_c.shape
    N = F2.shape[0]
    B = Bc * n_chunks
    BLK = 1024
    nblk = Bc // BLK
    off = chunk * nblk

    def mm_body(f2_ref, p_ref, *rest):
        o_ref = rest[-1]
        o_ref[...] = lax.dot_general(
            f2_ref[...], p_ref[...],
            (((1,), (1,)), ((), ())),
            preferred_element_type=jnp.float32,
        )

    in_specs = [
        pl.BlockSpec((N, K), lambda i: (0, 0)),
        pl.BlockSpec((BLK, K), lambda i: (i, 0)),
    ]
    operands = [F2, prod_c]
    kwargs = {}
    if acc is not None:
        in_specs.append(pl.BlockSpec(memory_space=pl.ANY))
        operands.append(acc)
        kwargs["input_output_aliases"] = {2: 0}

    return pl.pallas_call(
        mm_body,
        grid=(nblk,),
        in_specs=in_specs,
        out_specs=pl.BlockSpec((N, BLK), lambda i: (0, i + off)),
        out_shape=jax.ShapeDtypeStruct((N, B), jnp.float32),
        **kwargs,
    )(*operands)


def kernel(indices, F0, F1, F2, log_sigma):
    idx_flat = indices.astype(jnp.int32).reshape(-1)
    prod = _sc_gather_mul(F0, F1, idx_flat)
    res_t = _tc_matmul_t_chunk(prod, F2, None, 0, 1)
    return (res_t.T, log_sigma)

# --- scband reference (transcript-rebuilt; emitter-appended) ---
"""Pipeline reference for scband-policy-parafac-2654289789500 (READ-ONLY COPY).

The authoritative reference and input builder live on the scoring server;
editing this copy changes nothing except your own understanding.
"""

import jax, jax.numpy as jnp
import numpy as np

DIMS = [100000, 100000, 1000]
K = 128
SCALE = 1.0
BSZ = 4096

def setup_inputs(seed: int = 0) -> dict:
    key = jax.random.key(seed)
    k_idx, k0, k1, k2 = jax.random.split(key, 4)
    indices = jax.random.randint(k_idx, (BSZ, 2), 0, 100000)
    F0 = SCALE * jax.random.normal(k0, (DIMS[0], K), dtype=jnp.float32)
    F1 = SCALE * jax.random.normal(k1, (DIMS[1], K), dtype=jnp.float32)
    F2 = SCALE * jax.random.normal(k2, (DIMS[2], K), dtype=jnp.float32)
    log_sigma = jnp.zeros((1,), dtype=jnp.float32)
    return {"indices": indices, "F0": F0, "F1": F1, "F2": F2, "log_sigma": log_sigma}

def reference(indices, F0, F1, F2, log_sigma):
    # prod over indexed factors (indices has 2 columns < 3 factors)
    prod = jnp.take(F0, indices[:, 0], axis=0) * jnp.take(F1, indices[:, 1], axis=0)
    # partial indexing path: project onto last factor
    res = jnp.matmul(prod, F2.T)
    # model == 'gaussian' -> return (res, log_sigma)
    return (res, log_sigma)

if __name__ == "__main__":
    import jax
    _d = setup_inputs()
    print(jax.jit(kernel)(*tuple(_d.values())))

</pallas_src>

<mosaic_0001>
#map = affine_map<(d0, d1) -> (0)>
#map1 = affine_map<(d0, d1) -> (0, 0)>
module attributes {stable_mosaic.version = 14 : i64} {
  func.func @sc_kernel(%arg0: i32, %arg1: i32, %arg2: memref<8192xi32, #tpu.memory_space<hbm>>, %arg3: memref<100000x128xf32, #tpu.memory_space<hbm>>, %arg4: memref<100000x128xf32, #tpu.memory_space<hbm>>, %arg5: memref<4096x128xf32, #tpu.memory_space<hbm>>, %arg6: memref<256xi32, #tpu.memory_space<vmem>>, %arg7: memref<128xi32, #tpu.memory_space<vmem>>, %arg8: memref<128xi32, #tpu.memory_space<vmem>>, %arg9: memref<128x128xf32, #tpu.memory_space<vmem>>, %arg10: memref<128x128xf32, #tpu.memory_space<vmem>>, %arg11: memref<!tpu.dma_semaphore, #tpu.memory_space<semaphore_mem>>, %arg12: memref<!tpu.dma_semaphore, #tpu.memory_space<semaphore_mem>>, %arg13: memref<!tpu.dma_semaphore, #tpu.memory_space<semaphore_mem>>, %arg14: memref<!tpu.dma_semaphore, #tpu.memory_space<semaphore_mem>>, %arg15: memref<!tpu.dma_semaphore, #tpu.memory_space<semaphore_mem>>, %arg16: memref<!tpu.dma_semaphore, #tpu.memory_space<semaphore_mem>>, %arg17: memref<!tpu.dma_semaphore, #tpu.memory_space<semaphore_mem>>, %arg18: memref<!tpu.dma_semaphore, #tpu.memory_space<semaphore_mem>>, %arg19: memref<!tpu.dma_semaphore, #tpu.memory_space<semaphore_mem>>, %arg20: memref<!tpu.dma_semaphore, #tpu.memory_space<semaphore_mem>>, %arg21: memref<!tpu.dma_semaphore, #tpu.memory_space<semaphore_mem>>, %arg22: memref<!tpu.dma_semaphore, #tpu.memory_space<semaphore_mem>>, %arg23: memref<!tpu.dma_semaphore, #tpu.memory_space<semaphore_mem>>, %arg24: memref<!tpu.dma_semaphore, #tpu.memory_space<semaphore_mem>>, %arg25: memref<!tpu.dma_semaphore, #tpu.memory_space<semaphore_mem>>, %arg26: memref<!tpu.dma_semaphore, #tpu.memory_space<semaphore_mem>>, %arg27: memref<!tpu.dma_semaphore, #tpu.memory_space<semaphore_mem>>, %arg28: memref<!tpu.dma_semaphore, #tpu.memory_space<semaphore_mem>>, %arg29: memref<!tpu.dma_semaphore, #tpu.memory_space<semaphore_mem>>, %arg30: memref<!tpu.dma_semaphore, #tpu.memory_space<semaphore_mem>>, %arg31: memref<!tpu.dma_semaphore, #tpu.memory_space<semaphore_mem>>, %arg32: memref<!tpu.dma_semaphore, #tpu.memory_space<semaphore_mem>>, %arg33: memref<!tpu.dma_semaphore, #tpu.memory_space<semaphore_mem>>, %arg34: memref<!tpu.dma_semaphore, #tpu.memory_space<semaphore_mem>>, %arg35: memref<!tpu.dma_semaphore, #tpu.memory_space<semaphore_mem>>) attributes {dimension_semantics = [#tpu.dimension_semantics<core_parallel>, #tpu.dimension_semantics<subcore_parallel>], iteration_bounds = array<i64: 2, 16>, scalar_prefetch = 0 : i64, scratch_operands = 30 : i64, tpu.core_type = #tpu.core_type<sc_vector_subcore>, window_params = [{transform_indices = #map}, {transform_indices = #map1}, {transform_indices = #map1}, {transform_indices = #map1}]} {
    %mul3A = arith.constant 2 : i32
    %mul3A_0 = arith.muli %arg1, %mul3A : i32
    %add3A = arith.addi %mul3A_0, %arg0 : i32
    %mul3A_1 = arith.constant 128 : i32
    %mul3A_2 = arith.muli %add3A, %mul3A_1 : i32
    %mul3A_3 = arith.constant 2 : i32
    %mul3A_4 = arith.muli %mul3A_3, %mul3A_2 : i32
    "tpu.region"() ({
      %run_scoped3A = tpu.sem_alloc : memref<!tpu.dma_semaphore, #tpu.memory_space<semaphore_mem>>
      %dma_start3A_704 = tpu.memref_slice %arg2[%mul3A_4] : memref<8192xi32, #tpu.memory_space<hbm>> -> memref<256xi32, #tpu.memory_space<hbm>>
      %dma_start3A_705 = tpu.memref_slice %arg2[%mul3A_4] : memref<8192xi32, #tpu.memory_space<hbm>> -> memref<256xi32, #tpu.memory_space<hbm>>
      tpu.enqueue_dma source(%dma_start3A_705 : memref<256xi32, #tpu.memory_space<hbm>>) target(%arg6 : memref<256xi32, #tpu.memory_space<vmem>>) target_semaphore(%run_scoped3A : memref<!tpu.dma_semaphore, #tpu.memory_space<semaphore_mem>>)
      %dma_wait3A_706 = tpu.memref_slice %arg2[%mul3A_4] : memref<8192xi32, #tpu.memory_space<hbm>> -> memref<256xi32, #tpu.memory_space<hbm>>
      %dma_wait3A_707 = tpu.memref_slice %arg2[%mul3A_4] : memref<8192xi32, #tpu.memory_space<hbm>> -> memref<256xi32, #tpu.memory_space<hbm>>
      tpu.wait_dma2 semaphore(%run_scoped3A : memref<!tpu.dma_semaphore, #tpu.memory_space<semaphore_mem>>) src(%dma_wait3A_707 : memref<256xi32, #tpu.memory_space<hbm>>) dst(%arg6 : memref<256xi32, #tpu.memory_space<vmem>>)
      tpu.yield
    }) : () -> ()
    %iota3A = tpu.iota {dimensions = array<i32: 0>} : vector<16xi32>
    %mul3A_5 = arith.constant 2 : i32
    %mul3A_6 = vector.broadcast %mul3A_5 : i32 to vector<16xi32>
    %mul3A_7 = arith.muli %iota3A, %mul3A_6 : vector<16xi32>
    %jit3A = arith.constant 16 : i32
    %eq3A = arith.constant 0 : i32
    %eq3A_8 = arith.cmpi eq, %jit3A, %eq3A : i32
    %jit3A_9 = arith.constant 1 : i32
    %select_n3A = arith.select %eq3A_8, %jit3A_9, %jit3A : i32
    %rem3A = vector.broadcast %select_n3A : i32 to vector<16xi32>
    %rem3A_10 = arith.remsi %mul3A_7, %rem3A : vector<16xi32>
    %ne3A = arith.constant 0 : i32
    %ne3A_11 = vector.broadcast %ne3A : i32 to vector<16xi32>
    %ne3A_12 = arith.cmpi ne, %rem3A_10, %ne3A_11 : vector<16xi32>
    %lt3A = arith.constant 0 : i32
    %lt3A_13 = vector.broadcast %lt3A : i32 to vector<16xi32>
    %lt3A_14 = arith.cmpi slt, %rem3A_10, %lt3A_13 : vector<16xi32>
    %lt3A_15 = arith.constant 0 : i32
    %lt3A_16 = arith.cmpi slt, %select_n3A, %lt3A_15 : i32
    %ne3A_17 = vector.broadcast %lt3A_16 : i1 to vector<16xi1>
    %ne3A_18 = vector.broadcast %ne3A_17 : vector<16xi1> to vector<16xi1>
    %ne3A_19 = arith.xori %lt3A_14, %ne3A_18 : vector<16xi1>
    %and3A = arith.andi %ne3A_19, %ne3A_12 : vector<16xi1>
    %add3A_20 = vector.broadcast %select_n3A : i32 to vector<16xi32>
    %add3A_21 = arith.addi %rem3A_10, %add3A_20 : vector<16xi32>
    %select_n3A_22 = arith.select %and3A, %add3A_21, %rem3A_10 : vector<16xi1>, vector<16xi32>
    %mul3A_23 = arith.constant 2 : i32
    %mul3A_24 = vector.broadcast %mul3A_23 : i32 to vector<16xi32>
    %mul3A_25 = arith.muli %iota3A, %mul3A_24 : vector<16xi32>
    %add3A_26 = arith.constant 1 : i32
    %add3A_27 = vector.broadcast %add3A_26 : i32 to vector<16xi32>
    %add3A_28 = arith.addi %mul3A_25, %add3A_27 : vector<16xi32>
    %jit3A_29 = arith.constant 16 : i32
    %eq3A_30 = arith.constant 0 : i32
    %eq3A_31 = arith.cmpi eq, %jit3A_29, %eq3A_30 : i32
    %jit3A_32 = arith.constant 1 : i32
    %select_n3A_33 = arith.select %eq3A_31, %jit3A_32, %jit3A_29 : i32
    %rem3A_34 = vector.broadcast %select_n3A_33 : i32 to vector<16xi32>
    %rem3A_35 = arith.remsi %add3A_28, %rem3A_34 : vector<16xi32>
    %ne3A_36 = arith.constant 0 : i32
    %ne3A_37 = vector.broadcast %ne3A_36 : i32 to vector<16xi32>
    %ne3A_38 = arith.cmpi ne, %rem3A_35, %ne3A_37 : vector<16xi32>
    %lt3A_39 = arith.constant 0 : i32
    %lt3A_40 = vector.broadcast %lt3A_39 : i32 to vector<16xi32>
    %lt3A_41 = arith.cmpi slt, %rem3A_35, %lt3A_40 : vector<16xi32>
    %lt3A_42 = arith.constant 0 : i32
    %lt3A_43 = arith.cmpi slt, %select_n3A_33, %lt3A_42 : i32
    %ne3A_44 = vector.broadcast %lt3A_43 : i1 to vector<16xi1>
    %ne3A_45 = vector.broadcast %ne3A_44 : vector<16xi1> to vector<16xi1>
    %ne3A_46 = arith.xori %lt3A_41, %ne3A_45 : vector<16xi1>
    %and3A_47 = arith.andi %ne3A_46, %ne3A_38 : vector<16xi1>
    %add3A_48 = vector.broadcast %select_n3A_33 : i32 to vector<16xi32>
    %add3A_49 = arith.addi %rem3A_35, %add3A_48 : vector<16xi32>
    %select_n3A_50 = arith.select %and3A_47, %add3A_49, %rem3A_35 : vector<16xi1>, vector<16xi32>
    %lt3A_51 = arith.constant 8 : i32
    %lt3A_52 = vector.broadcast %lt3A_51 : i32 to vector<16xi32>
    %lt3A_53 = arith.cmpi slt, %iota3A, %lt3A_52 : vector<16xi32>
    %get3A = arith.constant 0 : index
    %get3A_54 = tpu.vector_load %arg6[%get3A] {strides = array<i32>} : memref<256xi32, #tpu.memory_space<vmem>>, vector<16xi32>,
    %get3A_55 = vector.shape_cast %get3A_54 : vector<16xi32> to vector<16xi32>
    %get3A_56 = arith.constant 16 : index
    %get3A_57 = tpu.vector_load %arg6[%get3A_56] {strides = array<i32>} : memref<256xi32, #tpu.memory_space<vmem>>, vector<16xi32>,
    %get3A_58 = vector.shape_cast %get3A_57 : vector<16xi32> to vector<16xi32>
    %broadcast_in_dim3A = vector.shape_cast %select_n3A_22 : vector<16xi32> to vector<16x1xi32>
    %gather3A = vector.shape_cast %broadcast_in_dim3A : vector<16x1xi32> to vector<16xi32>
    %gather3A_59 = tpu.dynamic_gather %get3A_55[%gather3A] in [0] : vector<16xi32>, vector<16xi32> -> vector<16xi32>
    %broadcast_in_dim3A_60 = vector.shape_cast %select_n3A_22 : vector<16xi32> to vector<16x1xi32>
    %gather3A_61 = vector.shape_cast %broadcast_in_dim3A_60 : vector<16x1xi32> to vector<16xi32>
    %gather3A_62 = tpu.dynamic_gather %get3A_58[%gather3A_61] in [0] : vector<16xi32>, vector<16xi32> -> vector<16xi32>
    %select_n3A_63 = arith.select %lt3A_53, %gather3A_59, %gather3A_62 : vector<16xi1>, vector<16xi32>
    %swap3A = arith.constant 0 : index
    %swap3A_64 = tpu.vector_load %arg7[%swap3A] {strides = array<i32>} : memref<128xi32, #tpu.memory_space<vmem>>, vector<16xi32>,
    %swap3A_65 = vector.shape_cast %swap3A_64 : vector<16xi32> to vector<16xi32>
    %swap3A_66 = vector.shape_cast %select_n3A_63 : vector<16xi32> to vector<16xi32>
    tpu.vector_store %arg7[%swap3A], %swap3A_66 {strides = array<i32>} : memref<128xi32, #tpu.memory_space<vmem>>, vector<16xi32>,
    %broadcast_in_dim3A_67 = vector.shape_cast %select_n3A_50 : vector<16xi32> to vector<16x1xi32>
    %gather3A_68 = vector.shape_cast %broadcast_in_dim3A_67 : vector<16x1xi32> to vector<16xi32>
    %gather3A_69 = tpu.dynamic_gather %get3A_55[%gather3A_68] in [0] : vector<16xi32>, vector<16xi32> -> vector<16xi32>
    %broadcast_in_dim3A_70 = vector.shape_cast %select_n3A_50 : vector<16xi32> to vector<16x1xi32>
    %gather3A_71 = vector.shape_cast %broadcast_in_dim3A_70 : vector<16x1xi32> to vector<16xi32>
    %gather3A_72 = tpu.dynamic_gather %get3A_58[%gather3A_71] in [0] : vector<16xi32>, vector<16xi32> -> vector<16xi32>
    %select_n3A_73 = arith.select %lt3A_53, %gather3A_69, %gather3A_72 : vector<16xi1>, vector<16xi32>
    %swap3A_74 = arith.constant 0 : index
    %swap3A_75 = tpu.vector_load %arg8[%swap3A_74] {strides = array<i32>} : memref<128xi32, #tpu.memory_space<vmem>>, vector<16xi32>,
    %swap3A_76 = vector.shape_cast %swap3A_75 : vector<16xi32> to vector<16xi32>
    %swap3A_77 = vector.shape_cast %select_n3A_73 : vector<16xi32> to vector<16xi32>
    tpu.vector_store %arg8[%swap3A_74], %swap3A_77 {strides = array<i32>} : memref<128xi32, #tpu.memory_space<vmem>>, vector<16xi32>,
    %dma_start3A = arith.constant 0 : i32
    %dma_start3A_78 = arith.constant 0 : i32
    %dma_start3A_79 = tpu.memref_slice %arg9[%dma_start3A, %dma_start3A_78] : memref<128x128xf32, #tpu.memory_space<vmem>> -> memref<16x128xf32, #tpu.memory_space<vmem>>
    %dma_start3A_80 = arith.constant 0 : i32
    %dma_start3A_81 = tpu.memref_slice %arg7[%dma_start3A_80] : memref<128xi32, #tpu.memory_space<vmem>> -> memref<16xi32, #tpu.memory_space<vmem>>
    %dma_start3A_82 = arith.constant 0 : i32
    %dma_start3A_83 = arith.constant 0 : i32
    %dma_start3A_84 = tpu.memref_slice %arg3[%dma_start3A_82, %dma_start3A_83] : memref<100000x128xf32, #tpu.memory_space<hbm>> -> memref<100000x128xf32, #tpu.memory_space<hbm>>
    tpu.enqueue_indirect_dma source(%dma_start3A_84 : memref<100000x128xf32, #tpu.memory_space<hbm>>) target(%dma_start3A_79 : memref<16x128xf32, #tpu.memory_space<vmem>>) offsets(%dma_start3A_81 : memref<16xi32, #tpu.memory_space<vmem>>) semaphore(%arg12 : memref<!tpu.dma_semaphore, #tpu.memory_space<semaphore_mem>>)
    %dma_start3A_85 = arith.constant 0 : i32
    %dma_start3A_86 = arith.constant 0 : i32
    %dma_start3A_87 = tpu.memref_slice %arg10[%dma_start3A_85, %dma_start3A_86] : memref<128x128xf32, #tpu.memory_space<vmem>> -> memref<16x128xf32, #tpu.memory_space<vmem>>
    %dma_start3A_88 = arith.constant 0 : i32
    %dma_start3A_89 = tpu.memref_slice %arg8[%dma_start3A_88] : memref<128xi32, #tpu.memory_space<vmem>> -> memref<16xi32, #tpu.memory_space<vmem>>
    %dma_start3A_90 = arith.constant 0 : i32
    %dma_start3A_91 = arith.constant 0 : i32
    %dma_start3A_92 = tpu.memref_slice %arg4[%dma_start3A_90, %dma_start3A_91] : memref<100000x128xf32, #tpu.memory_space<hbm>> -> memref<100000x128xf32, #tpu.memory_space<hbm>>
    tpu.enqueue_indirect_dma source(%dma_start3A_92 : memref<100000x128xf32, #tpu.memory_space<hbm>>) target(%dma_start3A_87 : memref<16x128xf32, #tpu.memory_space<vmem>>) offsets(%dma_start3A_89 : memref<16xi32, #tpu.memory_space<vmem>>) semaphore(%arg13 : memref<!tpu.dma_semaphore, #tpu.memory_space<semaphore_mem>>)
    %get3A_93 = arith.constant 32 : index
    %get3A_94 = tpu.vector_load %arg6[%get3A_93] {strides = array<i32>} : memref<256xi32, #tpu.memory_space<vmem>>, vector<16xi32>,
    %get3A_95 = vector.shape_cast %get3A_94 : vector<16xi32> to vector<16xi32>
    %get3A_96 = arith.constant 48 : index
    %get3A_97 = tpu.vector_load %arg6[%get3A_96] {strides = array<i32>} : memref<256xi32, #tpu.memory_space<vmem>>, vector<16xi32>,
    %get3A_98 = vector.shape_cast %get3A_97 : vector<16xi32> to vector<16xi32>
    %broadcast_in_dim3A_99 = vector.shape_cast %select_n3A_22 : vector<16xi32> to vector<16x1xi32>
    %gather3A_100 = vector.shape_cast %broadcast_in_dim3A_99 : vector<16x1xi32> to vector<16xi32>
    %gather3A_101 = tpu.dynamic_gather %get3A_95[%gather3A_100] in [0] : vector<16xi32>, vector<16xi32> -> vector<16xi32>
    %broadcast_in_dim3A_102 = vector.shape_cast %select_n3A_22 : vector<16xi32> to vector<16x1xi32>
    %gather3A_103 = vector.shape_cast %broadcast_in_dim3A_102 : vector<16x1xi32> to vector<16xi32>
    %gather3A_104 = tpu.dynamic_gather %get3A_98[%gather3A_103] in [0] : vector<16xi32>, vector<16xi32> -> vector<16xi32>
    %select_n3A_105 = arith.select %lt3A_53, %gather3A_101, %gather3A_104 : vector<16xi1>, vector<16xi32>
    %swap3A_106 = arith.constant 16 : index
    %swap3A_107 = tpu.vector_load %arg7[%swap3A_106] {strides = array<i32>} : memref<128xi32, #tpu.memory_space<vmem>>, vector<16xi32>,
    %swap3A_108 = vector.shape_cast %swap3A_107 : vector<16xi32> to vector<16xi32>
    %swap3A_109 = vector.shape_cast %select_n3A_105 : vector<16xi32> to vector<16xi32>
    tpu.vector_store %arg7[%swap3A_106], %swap3A_109 {strides = array<i32>} : memref<128xi32, #tpu.memory_space<vmem>>, vector<16xi32>,
    %broadcast_in_dim3A_110 = vector.shape_cast %select_n3A_50 : vector<16xi32> to vector<16x1xi32>
    %gather3A_111 = vector.shape_cast %broadcast_in_dim3A_110 : vector<16x1xi32> to vector<16xi32>
    %gather3A_112 = tpu.dynamic_gather %get3A_95[%gather3A_111] in [0] : vector<16xi32>, vector<16xi32> -> vector<16xi32>
    %broadcast_in_dim3A_113 = vector.shape_cast %select_n3A_50 : vector<16xi32> to vector<16x1xi32>
    %gather3A_114 = vector.shape_cast %broadcast_in_dim3A_113 : vector<16x1xi32> to vector<16xi32>
    %gather3A_115 = tpu.dynamic_gather %get3A_98[%gather3A_114] in [0] : vector<16xi32>, vector<16xi32> -> vector<16xi32>
    %select_n3A_116 = arith.select %lt3A_53, %gather3A_112, %gather3A_115 : vector<16xi1>, vector<16xi32>
    %swap3A_117 = arith.constant 16 : index
    %swap3A_118 = tpu.vector_load %arg8[%swap3A_117] {strides = array<i32>} : memref<128xi32, #tpu.memory_space<vmem>>, vector<16xi32>,
    %swap3A_119 = vector.shape_cast %swap3A_118 : vector<16xi32> to vector<16xi32>
    %swap3A_120 = vector.shape_cast %select_n3A_116 : vector<16xi32> to vector<16xi32>
    tpu.vector_store %arg8[%swap3A_117], %swap3A_120 {strides = array<i32>} : memref<128xi32, #tpu.memory_space<vmem>>, vector<16xi32>,
    %dma_start3A_121 = arith.constant 16 : i32
    %dma_start3A_122 = arith.constant 0 : i32
    %dma_start3A_123 = tpu.memref_slice %arg9[%dma_start3A_121, %dma_start3A_122] : memref<128x128xf32, #tpu.memory_space<vmem>> -> memref<16x128xf32, #tpu.memory_space<vmem>>
    %dma_start3A_124 = arith.constant 16 : i32
    %dma_start3A_125 = tpu.memref_slice %arg7[%dma_start3A_124] : memref<128xi32, #tpu.memory_space<vmem>> -> memref<16xi32, #tpu.memory_space<vmem>>
    %dma_start3A_126 = arith.constant 0 : i32
    %dma_start3A_127 = arith.constant 0 : i32
    %dma_start3A_128 = tpu.memref_slice %arg3[%dma_start3A_126, %dma_start3A_127] : memref<100000x128xf32, #tpu.memory_space<hbm>> -> memref<100000x128xf32, #tpu.memory_space<hbm>>
    tpu.enqueue_indirect_dma source(%dma_start3A_128 : memref<100000x128xf32, #tpu.memory_space<hbm>>) target(%dma_start3A_123 : memref<16x128xf32, #tpu.memory_space<vmem>>) offsets(%dma_start3A_125 : memref<16xi32, #tpu.memory_space<vmem>>) semaphore(%arg14 : memref<!tpu.dma_semaphore, #tpu.memory_space<semaphore_mem>>)
    %dma_start3A_129 = arith.constant 16 : i32
    %dma_start3A_130 = arith.constant 0 : i32
    %dma_start3A_131 = tpu.memref_slice %arg10[%dma_start3A_129, %dma_start3A_130] : memref<128x128xf32, #tpu.memory_space<vmem>> -> memref<16x128xf32, #tpu.memory_space<vmem>>
    %dma_start3A_132 = arith.constant 16 : i32
    %dma_start3A_133 = tpu.memref_slice %arg8[%dma_start3A_132] : memref<128xi32, #tpu.memory_space<vmem>> -> memref<16xi32, #tpu.memory_space<vmem>>
    %dma_start3A_134 = arith.constant 0 : i32
    %dma_start3A_135 = arith.constant 0 : i32
    %dma_start3A_136 = tpu.memref_slice %arg4[%dma_start3A_134, %dma_start3A_135] : memref<100000x128xf32, #tpu.memory_space<hbm>> -> memref<100000x128xf32, #tpu.memory_space<hbm>>
    tpu.enqueue_indirect_dma source(%dma_start3A_136 : memref<100000x128xf32, #tpu.memory_space<hbm>>) target(%dma_start3A_131 : memref<16x128xf32, #tpu.memory_space<vmem>>) offsets(%dma_start3A_133 : memref<16xi32, #tpu.memory_space<vmem>>) semaphore(%arg15 : memref<!tpu.dma_semaphore, #tpu.memory_space<semaphore_mem>>)
    %get3A_137 = arith.constant 64 : index
    %get3A_138 = tpu.vector_load %arg6[%get3A_137] {strides = array<i32>} : memref<256xi32, #tpu.memory_space<vmem>>, vector<16xi32>,
    %get3A_139 = vector.shape_cast %get3A_138 : vector<16xi32> to vector<16xi32>
    %get3A_140 = arith.constant 80 : index
    %get3A_141 = tpu.vector_load %arg6[%get3A_140] {strides = array<i32>} : memref<256xi32, #tpu.memory_space<vmem>>, vector<16xi32>,
    %get3A_142 = vector.shape_cast %get3A_141 : vector<16xi32> to vector<16xi32>
    %broadcast_in_dim3A_143 = vector.shape_cast %select_n3A_22 : vector<16xi32> to vector<16x1xi32>
    %gather3A_144 = vector.shape_cast %broadcast_in_dim3A_143 : vector<16x1xi32> to vector<16xi32>
    %gather3A_145 = tpu.dynamic_gather %get3A_139[%gather3A_144] in [0] : vector<16xi32>, vector<16xi32> -> vector<16xi32>
    %broadcast_in_dim3A_146 = vector.shape_cast %select_n3A_22 : vector<16xi32> to vector<16x1xi32>
    %gather3A_147 = vector.shape_cast %broadcast_in_dim3A_146 : vector<16x1xi32> to vector<16xi32>
    %gather3A_148 = tpu.dynamic_gather %get3A_142[%gather3A_147] in [0] : vector<16xi32>, vector<16xi32> -> vector<16xi32>
    %select_n3A_149 = arith.select %lt3A_53, %gather3A_145, %gather3A_148 : vector<16xi1>, vector<16xi32>
    %swap3A_150 = arith.constant 32 : index
    %swap3A_151 = tpu.vector_load %arg7[%swap3A_150] {strides = array<i32>} : memref<128xi32, #tpu.memory_space<vmem>>, vector<16xi32>,
    %swap3A_152 = vector.shape_cast %swap3A_151 : vector<16xi32> to vector<16xi32>
    %swap3A_153 = vector.shape_cast %select_n3A_149 : vector<16xi32> to vector<16xi32>
    tpu.vector_store %arg7[%swap3A_150], %swap3A_153 {strides = array<i32>} : memref<128xi32, #tpu.memory_space<vmem>>, vector<16xi32>,
    %broadcast_in_dim3A_154 = vector.shape_cast %select_n3A_50 : vector<16xi32> to vector<16x1xi32>
    %gather3A_155 = vector.shape_cast %broadcast_in_dim3A_154 : vector<16x1xi32> to vector<16xi32>
    %gather3A_156 = tpu.dynamic_gather %get3A_139[%gather3A_155] in [0] : vector<16xi32>, vector<16xi32> -> vector<16xi32>
    %broadcast_in_dim3A_157 = vector.shape_cast %select_n3A_50 : vector<16xi32> to vector<16x1xi32>
    %gather3A_158 = vector.shape_cast %broadcast_in_dim3A_157 : vector<16x1xi32> to vector<16xi32>
    %gather3A_159 = tpu.dynamic_gather %get3A_142[%gather3A_158] in [0] : vector<16xi32>, vector<16xi32> -> vector<16xi32>
    %select_n3A_160 = arith.select %lt3A_53, %gather3A_156, %gather3A_159 : vector<16xi1>, vector<16xi32>
    %swap3A_161 = arith.constant 32 : index
    %swap3A_162 = tpu.vector_load %arg8[%swap3A_161] {strides = array<i32>} : memref<128xi32, #tpu.memory_space<vmem>>, vector<16xi32>,
    %swap3A_163 = vector.shape_cast %swap3A_162 : vector<16xi32> to vector<16xi32>
    %swap3A_164 = vector.shape_cast %select_n3A_160 : vector<16xi32> to vector<16xi32>
    tpu.vector_store %arg8[%swap3A_161], %swap3A_164 {strides = array<i32>} : memref<128xi32, #tpu.memory_space<vmem>>, vector<16xi32>,
    %dma_start3A_165 = arith.constant 32 : i32
    %dma_start3A_166 = arith.constant 0 : i32
    %dma_start3A_167 = tpu.memref_slice %arg9[%dma_start3A_165, %dma_start3A_166] : memref<128x128xf32, #tpu.memory_space<vmem>> -> memref<16x128xf32, #tpu.memory_space<vmem>>
    %dma_start3A_168 = arith.constant 32 : i32
    %dma_start3A_169 = tpu.memref_slice %arg7[%dma_start3A_168] : memref<128xi32, #tpu.memory_space<vmem>> -> memref<16xi32, #tpu.memory_space<vmem>>
    %dma_start3A_170 = arith.constant 0 : i32
    %dma_start3A_171 = arith.constant 0 : i32
    %dma_start3A_172 = tpu.memref_slice %arg3[%dma_start3A_170, %dma_start3A_171] : memref<100000x128xf32, #tpu.memory_space<hbm>> -> memref<100000x128xf32, #tpu.memory_space<hbm>>
    tpu.enqueue_indirect_dma source(%dma_start3A_172 : memref<100000x128xf32, #tpu.memory_space<hbm>>) target(%dma_start3A_167 : memref<16x128xf32, #tpu.memory_space<vmem>>) offsets(%dma_start3A_169 : memref<16xi32, #tpu.memory_space<vmem>>) semaphore(%arg16 : memref<!tpu.dma_semaphore, #tpu.memory_space<semaphore_mem>>)
    %dma_start3A_173 = arith.constant 32 : i32
    %dma_start3A_174 = arith.constant 0 : i32
    %dma_start3A_175 = tpu.memref_slice %arg10[%dma_start3A_173, %dma_start3A_174] : memref<128x128xf32, #tpu.memory_space<vmem>> -> memref<16x128xf32, #tpu.memory_space<vmem>>
    %dma_start3A_176 = arith.constant 32 : i32
    %dma_start3A_177 = tpu.memref_slice %arg8[%dma_start3A_176] : memref<128xi32, #tpu.memory_space<vmem>> -> memref<16xi32, #tpu.memory_space<vmem>>
    %dma_start3A_178 = arith.constant 0 : i32
    %dma_start3A_179 = arith.constant 0 : i32
    %dma_start3A_180 = tpu.memref_slice %arg4[%dma_start3A_178, %dma_start3A_179] : memref<100000x128xf32, #tpu.memory_space<hbm>> -> memref<100000x128xf32, #tpu.memory_space<hbm>>
    tpu.enqueue_indirect_dma source(%dma_start3A_180 : memref<100000x128xf32, #tpu.memory_space<hbm>>) target(%dma_start3A_175 : memref<16x128xf32, #tpu.memory_space<vmem>>) offsets(%dma_start3A_177 : memref<16xi32, #tpu.memory_space<vmem>>) semaphore(%arg17 : memref<!tpu.dma_semaphore, #tpu.memory_space<semaphore_mem>>)
    %get3A_181 = arith.constant 96 : index
    %get3A_182 = tpu.vector_load %arg6[%get3A_181] {strides = array<i32>} : memref<256xi32, #tpu.memory_space<vmem>>, vector<16xi32>,
    %get3A_183 = vector.shape_cast %get3A_182 : vector<16xi32> to vector<16xi32>
    %get3A_184 = arith.constant 112 : index
    %get3A_185 = tpu.vector_load %arg6[%get3A_184] {strides = array<i32>} : memref<256xi32, #tpu.memory_space<vmem>>, vector<16xi32>,
    %get3A_186 = vector.shape_cast %get3A_185 : vector<16xi32> to vector<16xi32>
    %broadcast_in_dim3A_187 = vector.shape_cast %select_n3A_22 : vector<16xi32> to vector<16x1xi32>
    %gather3A_188 = vector.shape_cast %broadcast_in_dim3A_187 : vector<16x1xi32> to vector<16xi32>
    %gather3A_189 = tpu.dynamic_gather %get3A_183[%gather3A_188] in [0] : vector<16xi32>, vector<16xi32> -> vector<16xi32>
    %broadcast_in_dim3A_190 = vector.shape_cast %select_n3A_22 : vector<16xi32> to vector<16x1xi32>
    %gather3A_191 = vector.shape_cast %broadcast_in_dim3A_190 : vector<16x1xi32> to vector<16xi32>
    %gather3A_192 = tpu.dynamic_gather %get3A_186[%gather3A_191] in [0] : vector<16xi32>, vector<16xi32> -> vector<16xi32>
    %select_n3A_193 = arith.select %lt3A_53, %gather3A_189, %gather3A_192 : vector<16xi1>, vector<16xi32>
    %swap3A_194 = arith.constant 48 : index
    %swap3A_195 = tpu.vector_load %arg7[%swap3A_194] {strides = array<i32>} : memref<128xi32, #tpu.memory_space<vmem>>, vector<16xi32>,
    %swap3A_196 = vector.shape_cast %swap3A_195 : vector<16xi32> to vector<16xi32>
    %swap3A_197 = vector.shape_cast %select_n3A_193 : vector<16xi32> to vector<16xi32>
    tpu.vector_store %arg7[%swap3A_194], %swap3A_197 {strides = array<i32>} : memref<128xi32, #tpu.memory_space<vmem>>, vector<16xi32>,
    %broadcast_in_dim3A_198 = vector.shape_cast %select_n3A_50 : vector<16xi32> to vector<16x1xi32>
    %gather3A_199 = vector.shape_cast %broadcast_in_dim3A_198 : vector<16x1xi32> to vector<16xi32>
    %gather3A_200 = tpu.dynamic_gather %get3A_183[%gather3A_199] in [0] : vector<16xi32>, vector<16xi32> -> vector<16xi32>
    %broadcast_in_dim3A_201 = vector.shape_cast %select_n3A_50 : vector<16xi32> to vector<16x1xi32>
    %gather3A_202 = vector.shape_cast %broadcast_in_dim3A_201 : vector<16x1xi32> to vector<16xi32>
    %gather3A_203 = tpu.dynamic_gather %get3A_186[%gather3A_202] in [0] : vector<16xi32>, vector<16xi32> -> vector<16xi32>
    %select_n3A_204 = arith.select %lt3A_53, %gather3A_200, %gather3A_203 : vector<16xi1>, vector<16xi32>
    %swap3A_205 = arith.constant 48 : index
    %swap3A_206 = tpu.vector_load %arg8[%swap3A_205] {strides = array<i32>} : memref<128xi32, #tpu.memory_space<vmem>>, vector<16xi32>,
    %swap3A_207 = vector.shape_cast %swap3A_206 : vector<16xi32> to vector<16xi32>
    %swap3A_208 = vector.shape_cast %select_n3A_204 : vector<16xi32> to vector<16xi32>
    tpu.vector_store %arg8[%swap3A_205], %swap3A_208 {strides = array<i32>} : memref<128xi32, #tpu.memory_space<vmem>>, vector<16xi32>,
    %dma_start3A_209 = arith.constant 48 : i32
    %dma_start3A_210 = arith.constant 0 : i32
    %dma_start3A_211 = tpu.memref_slice %arg9[%dma_start3A_209, %dma_start3A_210] : memref<128x128xf32, #tpu.memory_space<vmem>> -> memref<16x128xf32, #tpu.memory_space<vmem>>
    %dma_start3A_212 = arith.constant 48 : i32
    %dma_start3A_213 = tpu.memref_slice %arg7[%dma_start3A_212] : memref<128xi32, #tpu.memory_space<vmem>> -> memref<16xi32, #tpu.memory_space<vmem>>
    %dma_start3A_214 = arith.constant 0 : i32
    %dma_start3A_215 = arith.constant 0 : i32
    %dma_start3A_216 = tpu.memref_slice %arg3[%dma_start3A_214, %dma_start3A_215] : memref<100000x128xf32, #tpu.memory_space<hbm>> -> memref<100000x128xf32, #tpu.memory_space<hbm>>
    tpu.enqueue_indirect_dma source(%dma_start3A_216 : memref<100000x128xf32, #tpu.memory_space<hbm>>) target(%dma_start3A_211 : memref<16x128xf32, #tpu.memory_space<vmem>>) offsets(%dma_start3A_213 : memref<16xi32, #tpu.memory_space<vmem>>) semaphore(%arg18 : memref<!tpu.dma_semaphore, #tpu.memory_space<semaphore_mem>>)
    %dma_start3A_217 = arith.constant 48 : i32
    %dma_start3A_218 = arith.constant 0 : i32
    %dma_start3A_219 = tpu.memref_slice %arg10[%dma_start3A_217, %dma_start3A_218] : memref<128x128xf32, #tpu.memory_space<vmem>> -> memref<16x128xf32, #tpu.memory_space<vmem>>
    %dma_start3A_220 = arith.constant 48 : i32
    %dma_start3A_221 = tpu.memref_slice %arg8[%dma_start3A_220] : memref<128xi32, #tpu.memory_space<vmem>> -> memref<16xi32, #tpu.memory_space<vmem>>
    %dma_start3A_222 = arith.constant 0 : i32
    %dma_start3A_223 = arith.constant 0 : i32
    %dma_start3A_224 = tpu.memref_slice %arg4[%dma_start3A_222, %dma_start3A_223] : memref<100000x128xf32, #tpu.memory_space<hbm>> -> memref<100000x128xf32, #tpu.memory_space<hbm>>
    tpu.enqueue_indirect_dma source(%dma_start3A_224 : memref<100000x128xf32, #tpu.memory_space<hbm>>) target(%dma_start3A_219 : memref<16x128xf32, #tpu.memory_space<vmem>>) offsets(%dma_start3A_221 : memref<16xi32, #tpu.memory_space<vmem>>) semaphore(%arg19 : memref<!tpu.dma_semaphore, #tpu.memory_space<semaphore_mem>>)
    %get3A_225 = arith.constant 128 : index
    %get3A_226 = tpu.vector_load %arg6[%get3A_225] {strides = array<i32>} : memref<256xi32, #tpu.memory_space<vmem>>, vector<16xi32>,
    %get3A_227 = vector.shape_cast %get3A_226 : vector<16xi32> to vector<16xi32>
    %get3A_228 = arith.constant 144 : index
    %get3A_229 = tpu.vector_load %arg6[%get3A_228] {strides = array<i32>} : memref<256xi32, #tpu.memory_space<vmem>>, vector<16xi32>,
    %get3A_230 = vector.shape_cast %get3A_229 : vector<16xi32> to vector<16xi32>
    %broadcast_in_dim3A_231 = vector.shape_cast %select_n3A_22 : vector<16xi32> to vector<16x1xi32>
    %gather3A_232 = vector.shape_cast %broadcast_in_dim3A_231 : vector<16x1xi32> to vector<16xi32>
    %gather3A_233 = tpu.dynamic_gather %get3A_227[%gather3A_232] in [0] : vector<16xi32>, vector<16xi32> -> vector<16xi32>
    %broadcast_in_dim3A_234 = vector.shape_cast %select_n3A_22 : vector<16xi32> to vector<16x1xi32>
    %gather3A_235 = vector.shape_cast %broadcast_in_dim3A_234 : vector<16x1xi32> to vector<16xi32>
    %gather3A_236 = tpu.dynamic_gather %get3A_230[%gather3A_235] in [0] : vector<16xi32>, vector<16xi32> -> vector<16xi32>
    %select_n3A_237 = arith.select %lt3A_53, %gather3A_233, %gather3A_236 : vector<16xi1>, vector<16xi32>
    %swap3A_238 = arith.constant 64 : index
    %swap3A_239 = tpu.vector_load %arg7[%swap3A_238] {strides = array<i32>} : memref<128xi32, #tpu.memory_space<vmem>>, vector<16xi32>,
    %swap3A_240 = vector.shape_cast %swap3A_239 : vector<16xi32> to vector<16xi32>
    %swap3A_241 = vector.shape_cast %select_n3A_237 : vector<16xi32> to vector<16xi32>
    tpu.vector_store %arg7[%swap3A_238], %swap3A_241 {strides = array<i32>} : memref<128xi32, #tpu.memory_space<vmem>>, vector<16xi32>,
    %broadcast_in_dim3A_242 = vector.shape_cast %select_n3A_50 : vector<16xi32> to vector<16x1xi32>
    %gather3A_243 = vector.shape_cast %broadcast_in_dim3A_242 : vector<16x1xi32> to vector<16xi32>
    %gather3A_244 = tpu.dynamic_gather %get3A_227[%gather3A_243] in [0] : vector<16xi32>, vector<16xi32> -> vector<16xi32>
    %broadcast_in_dim3A_245 = vector.shape_cast %select_n3A_50 : vector<16xi32> to vector<16x1xi32>
    %gather3A_246 = vector.shape_cast %broadcast_in_dim3A_245 : vector<16x1xi32> to vector<16xi32>
    %gather3A_247 = tpu.dynamic_gather %get3A_230[%gather3A_246] in [0] : vector<16xi32>, vector<16xi32> -> vector<16xi32>
    %select_n3A_248 = arith.select %lt3A_53, %gather3A_244, %gather3A_247 : vector<16xi1>, vector<16xi32>
    %swap3A_249 = arith.constant 64 : index
    %swap3A_250 = tpu.vector_load %arg8[%swap3A_249] {strides = array<i32>} : memref<128xi32, #tpu.memory_space<vmem>>, vector<16xi32>,
    %swap3A_251 = vector.shape_cast %swap3A_250 : vector<16xi32> to vector<16xi32>
    %swap3A_252 = vector.shape_cast %select_n3A_248 : vector<16xi32> to vector<16xi32>
    tpu.vector_store %arg8[%swap3A_249], %swap3A_252 {strides = array<i32>} : memref<128xi32, #tpu.memory_space<vmem>>, vector<16xi32>,
    %dma_start3A_253 = arith.constant 64 : i32
    %dma_start3A_254 = arith.constant 0 : i32
    %dma_start3A_255 = tpu.memref_slice %arg9[%dma_start3A_253, %dma_start3A_254] : memref<128x128xf32, #tpu.memory_space<vmem>> -> memref<16x128xf32, #tpu.memory_space<vmem>>
    %dma_start3A_256 = arith.constant 64 : i32
    %dma_start3A_257 = tpu.memref_slice %arg7[%dma_start3A_256] : memref<128xi32, #tpu.memory_space<vmem>> -> memref<16xi32, #tpu.memory_space<vmem>>
    %dma_start3A_258 = arith.constant 0 : i32
    %dma_start3A_259 = arith.constant 0 : i32
    %dma_start3A_260 = tpu.memref_slice %arg3[%dma_start3A_258, %dma_start3A_259] : memref<100000x128xf32, #tpu.memory_space<hbm>> -> memref<100000x128xf32, #tpu.memory_space<hbm>>
    tpu.enqueue_indirect_dma source(%dma_start3A_260 : memref<100000x128xf32, #tpu.memory_space<hbm>>) target(%dma_start3A_255 : memref<16x128xf32, #tpu.memory_space<vmem>>) offsets(%dma_start3A_257 : memref<16xi32, #tpu.memory_space<vmem>>) semaphore(%arg20 : memref<!tpu.dma_semaphore, #tpu.memory_space<semaphore_mem>>)
    %dma_start3A_261 = arith.constant 64 : i32
    %dma_start3A_262 = arith.constant 0 : i32
    %dma_start3A_263 = tpu.memref_slice %arg10[%dma_start3A_261, %dma_start3A_262] : memref<128x128xf32, #tpu.memory_space<vmem>> -> memref<16x128xf32, #tpu.memory_space<vmem>>
    %dma_start3A_264 = arith.constant 64 : i32
    %dma_start3A_265 = tpu.memref_slice %arg8[%dma_start3A_264] : memref<128xi32, #tpu.memory_space<vmem>> -> memref<16xi32, #tpu.memory_space<vmem>>
    %dma_start3A_266 = arith.constant 0 : i32
    %dma_start3A_267 = arith.constant 0 : i32
    %dma_start3A_268 = tpu.memref_slice %arg4[%dma_start3A_266, %dma_start3A_267] : memref<100000x128xf32, #tpu.memory_space<hbm>> -> memref<100000x128xf32, #tpu.memory_space<hbm>>
    tpu.enqueue_indirect_dma source(%dma_start3A_268 : memref<100000x128xf32, #tpu.memory_space<hbm>>) target(%dma_start3A_263 : memref<16x128xf32, #tpu.memory_space<vmem>>) offsets(%dma_start3A_265 : memref<16xi32, #tpu.memory_space<vmem>>) semaphore(%arg21 : memref<!tpu.dma_semaphore, #tpu.memory_space<semaphore_mem>>)
    %get3A_269 = arith.constant 160 : index
    %get3A_270 = tpu.vector_load %arg6[%get3A_269] {strides = array<i32>} : memref<256xi32, #tpu.memory_space<vmem>>, vector<16xi32>,
    %get3A_271 = vector.shape_cast %get3A_270 : vector<16xi32> to vector<16xi32>
    %get3A_272 = arith.constant 176 : index
    %get3A_273 = tpu.vector_load %arg6[%get3A_272] {strides = array<i32>} : memref<256xi32, #tpu.memory_space<vmem>>, vector<16xi32>,
    %get3A_274 = vector.shape_cast %get3A_273 : vector<16xi32> to vector<16xi32>
    %broadcast_in_dim3A_275 = vector.shape_cast %select_n3A_22 : vector<16xi32> to vector<16x1xi32>
    %gather3A_276 = vector.shape_cast %broadcast_in_dim3A_275 : vector<16x1xi32> to vector<16xi32>
    %gather3A_277 = tpu.dynamic_gather %get3A_271[%gather3A_276] in [0] : vector<16xi32>, vector<16xi32> -> vector<16xi32>
    %broadcast_in_dim3A_278 = vector.shape_cast %select_n3A_22 : vector<16xi32> to vector<16x1xi32>
    %gather3A_279 = vector.shape_cast %broadcast_in_dim3A_278 : vector<16x1xi32> to vector<16xi32>
    %gather3A_280 = tpu.dynamic_gather %get3A_274[%gather3A_279] in [0] : vector<16xi32>, vector<16xi32> -> vector<16xi32>
    %select_n3A_281 = arith.select %lt3A_53, %gather3A_277, %gather3A_280 : vector<16xi1>, vector<16xi32>
    %swap3A_282 = arith.constant 80 : index
    %swap3A_283 = tpu.vector_load %arg7[%swap3A_282] {strides = array<i32>} : memref<128xi32, #tpu.memory_space<vmem>>, vector<16xi32>,
    %swap3A_284 = vector.shape_cast %swap3A_283 : vector<16xi32> to vector<16xi32>
    %swap3A_285 = vector.shape_cast %select_n3A_281 : vector<16xi32> to vector<16xi32>
    tpu.vector_store %arg7[%swap3A_282], %swap3A_285 {strides = array<i32>} : memref<128xi32, #tpu.memory_space<vmem>>, vector<16xi32>,
    %broadcast_in_dim3A_286 = vector.shape_cast %select_n3A_50 : vector<16xi32> to vector<16x1xi32>
    %gather3A_287 = vector.shape_cast %broadcast_in_dim3A_286 : vector<16x1xi32> to vector<16xi32>
    %gather3A_288 = tpu.dynamic_gather %get3A_271[%gather3A_287] in [0] : vector<16xi32>, vector<16xi32> -> vector<16xi32>
    %broadcast_in_dim3A_289 = vector.shape_cast %select_n3A_50 : vector<16xi32> to vector<16x1xi32>
    %gather3A_290 = vector.shape_cast %broadcast_in_dim3A_289 : vector<16x1xi32> to vector<16xi32>
    %gather3A_291 = tpu.dynamic_gather %get3A_274[%gather3A_290] in [0] : vector<16xi32>, vector<16xi32> -> vector<16xi32>
    %select_n3A_292 = arith.select %lt3A_53, %gather3A_288, %gather3A_291 : vector<16xi1>, vector<16xi32>
    %swap3A_293 = arith.constant 80 : index
    %swap3A_294 = tpu.vector_load %arg8[%swap3A_293] {strides = array<i32>} : memref<128xi32, #tpu.memory_space<vmem>>, vector<16xi32>,
    %swap3A_295 = vector.shape_cast %swap3A_294 : vector<16xi32> to vector<16xi32>
    %swap3A_296 = vector.shape_cast %select_n3A_292 : vector<16xi32> to vector<16xi32>
    tpu.vector_store %arg8[%swap3A_293], %swap3A_296 {strides = array<i32>} : memref<128xi32, #tpu.memory_space<vmem>>, vector<16xi32>,
    %dma_start3A_297 = arith.constant 80 : i32
    %dma_start3A_298 = arith.constant 0 : i32
    %dma_start3A_299 = tpu.memref_slice %arg9[%dma_start3A_297, %dma_start3A_298] : memref<128x128xf32, #tpu.memory_space<vmem>> -> memref<16x128xf32, #tpu.memory_space<vmem>>
    %dma_start3A_300 = arith.constant 80 : i32
    %dma_start3A_301 = tpu.memref_slice %arg7[%dma_start3A_300] : memref<128xi32, #tpu.memory_space<vmem>> -> memref<16xi32, #tpu.memory_space<vmem>>
    %dma_start3A_302 = arith.constant 0 : i32
    %dma_start3A_303 = arith.constant 0 : i32
    %dma_start3A_304 = tpu.memref_slice %arg3[%dma_start3A_302, %dma_start3A_303] : memref<100000x128xf32, #tpu.memory_space<hbm>> -> memref<100000x128xf32, #tpu.memory_space<hbm>>
    tpu.enqueue_indirect_dma source(%dma_start3A_304 : memref<100000x128xf32, #tpu.memory_space<hbm>>) target(%dma_start3A_299 : memref<16x128xf32, #tpu.memory_space<vmem>>) offsets(%dma_start3A_301 : memref<16xi32, #tpu.memory_space<vmem>>) semaphore(%arg22 : memref<!tpu.dma_semaphore, #tpu.memory_space<semaphore_mem>>)
    %dma_start3A_305 = arith.constant 80 : i32
    %dma_start3A_306 = arith.constant 0 : i32
    %dma_start3A_307 = tpu.memref_slice %arg10[%dma_start3A_305, %dma_start3A_306] : memref<128x128xf32, #tpu.memory_space<vmem>> -> memref<16x128xf32, #tpu.memory_space<vmem>>
    %dma_start3A_308 = arith.constant 80 : i32
    %dma_start3A_309 = tpu.memref_slice %arg8[%dma_start3A_308] : memref<128xi32, #tpu.memory_space<vmem>> -> memref<16xi32, #tpu.memory_space<vmem>>
    %dma_start3A_310 = arith.constant 0 : i32
    %dma_start3A_311 = arith.constant 0 : i32
    %dma_start3A_312 = tpu.memref_slice %arg4[%dma_start3A_310, %dma_start3A_311] : memref<100000x128xf32, #tpu.memory_space<hbm>> -> memref<100000x128xf32, #tpu.memory_space<hbm>>
    tpu.enqueue_indirect_dma source(%dma_start3A_312 : memref<100000x128xf32, #tpu.memory_space<hbm>>) target(%dma_start3A_307 : memref<16x128xf32, #tpu.memory_space<vmem>>) offsets(%dma_start3A_309 : memref<16xi32, #tpu.memory_space<vmem>>) semaphore(%arg23 : memref<!tpu.dma_semaphore, #tpu.memory_space<semaphore_mem>>)
    %get3A_313 = arith.constant 192 : index
    %get3A_314 = tpu.vector_load %arg6[%get3A_313] {strides = array<i32>} : memref<256xi32, #tpu.memory_space<vmem>>, vector<16xi32>,
    %get3A_315 = vector.shape_cast %get3A_314 : vector<16xi32> to vector<16xi32>
    %get3A_316 = arith.constant 208 : index
    %get3A_317 = tpu.vector_load %arg6[%get3A_316] {strides = array<i32>} : memref<256xi32, #tpu.memory_space<vmem>>, vector<16xi32>,
    %get3A_318 = vector.shape_cast %get3A_317 : vector<16xi32> to vector<16xi32>
    %broadcast_in_dim3A_319 = vector.shape_cast %select_n3A_22 : vector<16xi32> to vector<16x1xi32>
    %gather3A_320 = vector.shape_cast %broadcast_in_dim3A_319 : vector<16x1xi32> to vector<16xi32>
    %gather3A_321 = tpu.dynamic_gather %get3A_315[%gather3A_320] in [0] : vector<16xi32>, vector<16xi32> -> vector<16xi32>
    %broadcast_in_dim3A_322 = vector.shape_cast %select_n3A_22 : vector<16xi32> to vector<16x1xi32>
    %gather3A_323 = vector.shape_cast %broadcast_in_dim3A_322 : vector<16x1xi32> to vector<16xi32>
    %gather3A_324 = tpu.dynamic_gather %get3A_318[%gather3A_323] in [0] : vector<16xi32>, vector<16xi32> -> vector<16xi32>
    %select_n3A_325 = arith.select %lt3A_53, %gather3A_321, %gather3A_324 : vector<16xi1>, vector<16xi32>
    %swap3A_326 = arith.constant 96 : index
    %swap3A_327 = tpu.vector_load %arg7[%swap3A_326] {strides = array<i32>} : memref<128xi32, #tpu.memory_space<vmem>>, vector<16xi32>,
    %swap3A_328 = vector.shape_cast %swap3A_327 : vector<16xi32> to vector<16xi32>
    %swap3A_329 = vector.shape_cast %select_n3A_325 : vector<16xi32> to vector<16xi32>
    tpu.vector_store %arg7[%swap3A_326], %swap3A_329 {strides = array<i32>} : memref<128xi32, #tpu.memory_space<vmem>>, vector<16xi32>,
    %broadcast_in_dim3A_330 = vector.shape_cast %select_n3A_50 : vector<16xi32> to vector<16x1xi32>
    %gather3A_331 = vector.shape_cast %broadcast_in_dim3A_330 : vector<16x1xi32> to vector<16xi32>
    %gather3A_332 = tpu.dynamic_gather %get3A_315[%gather3A_331] in [0] : vector<16xi32>, vector<16xi32> -> vector<16xi32>
    %broadcast_in_dim3A_333 = vector.shape_cast %select_n3A_50 : vector<16xi32> to vector<16x1xi32>
    %gather3A_334 = vector.shape_cast %broadcast_in_dim3A_333 : vector<16x1xi32> to vector<16xi32>
    %gather3A_335 = tpu.dynamic_gather %get3A_318[%gather3A_334] in [0] : vector<16xi32>, vector<16xi32> -> vector<16xi32>
    %select_n3A_336 = arith.select %lt3A_53, %gather3A_332, %gather3A_335 : vector<16xi1>, vector<16xi32>
    %swap3A_337 = arith.constant 96 : index
    %swap3A_338 = tpu.vector_load %arg8[%swap3A_337] {strides = array<i32>} : memref<128xi32, #tpu.memory_space<vmem>>, vector<16xi32>,
    %swap3A_339 = vector.shape_cast %swap3A_338 : vector<16xi32> to vector<16xi32>
    %swap3A_340 = vector.shape_cast %select_n3A_336 : vector<16xi32> to vector<16xi32>
    tpu.vector_store %arg8[%swap3A_337], %swap3A_340 {strides = array<i32>} : memref<128xi32, #tpu.memory_space<vmem>>, vector<16xi32>,
    %dma_start3A_341 = arith.constant 96 : i32
    %dma_start3A_342 = arith.constant 0 : i32
    %dma_start3A_343 = tpu.memref_slice %arg9[%dma_start3A_341, %dma_start3A_342] : memref<128x128xf32, #tpu.memory_space<vmem>> -> memref<16x128xf32, #tpu.memory_space<vmem>>
    %dma_start3A_344 = arith.constant 96 : i32
    %dma_start3A_345 = tpu.memref_slice %arg7[%dma_start3A_344] : memref<128xi32, #tpu.memory_space<vmem>> -> memref<16xi32, #tpu.memory_space<vmem>>
    %dma_start3A_346 = arith.constant 0 : i32
    %dma_start3A_347 = arith.constant 0 : i32
    %dma_start3A_348 = tpu.memref_slice %arg3[%dma_start3A_346, %dma_start3A_347] : memref<100000x128xf32, #tpu.memory_space<hbm>> -> memref<100000x128xf32, #tpu.memory_space<hbm>>
    tpu.enqueue_indirect_dma source(%dma_start3A_348 : memref<100000x128xf32, #tpu.memory_space<hbm>>) target(%dma_start3A_343 : memref<16x128xf32, #tpu.memory_space<vmem>>) offsets(%dma_start3A_345 : memref<16xi32, #tpu.memory_space<vmem>>) semaphore(%arg24 : memref<!tpu.dma_semaphore, #tpu.memory_space<semaphore_mem>>)
    %dma_start3A_349 = arith.constant 96 : i32
    %dma_start3A_350 = arith.constant 0 : i32
    %dma_start3A_351 = tpu.memref_slice %arg10[%dma_start3A_349, %dma_start3A_350] : memref<128x128xf32, #tpu.memory_space<vmem>> -> memref<16x128xf32, #tpu.memory_space<vmem>>
    %dma_start3A_352 = arith.constant 96 : i32
    %dma_start3A_353 = tpu.memref_slice %arg8[%dma_start3A_352] : memref<128xi32, #tpu.memory_space<vmem>> -> memref<16xi32, #tpu.memory_space<vmem>>
    %dma_start3A_354 = arith.constant 0 : i32
    %dma_start3A_355 = arith.constant 0 : i32
    %dma_start3A_356 = tpu.memref_slice %arg4[%dma_start3A_354, %dma_start3A_355] : memref<100000x128xf32, #tpu.memory_space<hbm>> -> memref<100000x128xf32, #tpu.memory_space<hbm>>
    tpu.enqueue_indirect_dma source(%dma_start3A_356 : memref<100000x128xf32, #tpu.memory_space<hbm>>) target(%dma_start3A_351 : memref<16x128xf32, #tpu.memory_space<vmem>>) offsets(%dma_start3A_353 : memref<16xi32, #tpu.memory_space<vmem>>) semaphore(%arg25 : memref<!tpu.dma_semaphore, #tpu.memory_space<semaphore_mem>>)
    %get3A_357 = arith.constant 224 : index
    %get3A_358 = tpu.vector_load %arg6[%get3A_357] {strides = array<i32>} : memref<256xi32, #tpu.memory_space<vmem>>, vector<16xi32>,
    %get3A_359 = vector.shape_cast %get3A_358 : vector<16xi32> to vector<16xi32>
    %get3A_360 = arith.constant 240 : index
    %get3A_361 = tpu.vector_load %arg6[%get3A_360] {strides = array<i32>} : memref<256xi32, #tpu.memory_space<vmem>>, vector<16xi32>,
    %get3A_362 = vector.shape_cast %get3A_361 : vector<16xi32> to vector<16xi32>
    %broadcast_in_dim3A_363 = vector.shape_cast %select_n3A_22 : vector<16xi32> to vector<16x1xi32>
    %gather3A_364 = vector.shape_cast %broadcast_in_dim3A_363 : vector<16x1xi32> to vector<16xi32>
    %gather3A_365 = tpu.dynamic_gather %get3A_359[%gather3A_364] in [0] : vector<16xi32>, vector<16xi32> -> vector<16xi32>
    %broadcast_in_dim3A_366 = vector.shape_cast %select_n3A_22 : vector<16xi32> to vector<16x1xi32>
    %gather3A_367 = vector.shape_cast %broadcast_in_dim3A_366 : vector<16x1xi32> to vector<16xi32>
    %gather3A_368 = tpu.dynamic_gather %get3A_362[%gather3A_367] in [0] : vector<16xi32>, vector<16xi32> -> vector<16xi32>
    %select_n3A_369 = arith.select %lt3A_53, %gather3A_365, %gather3A_368 : vector<16xi1>, vector<16xi32>
    %swap3A_370 = arith.constant 112 : index
    %swap3A_371 = tpu.vector_load %arg7[%swap3A_370] {strides = array<i32>} : memref<128xi32, #tpu.memory_space<vmem>>, vector<16xi32>,
    %swap3A_372 = vector.shape_cast %swap3A_371 : vector<16xi32> to vector<16xi32>
    %swap3A_373 = vector.shape_cast %select_n3A_369 : vector<16xi32> to vector<16xi32>
    tpu.vector_store %arg7[%swap3A_370], %swap3A_373 {strides = array<i32>} : memref<128xi32, #tpu.memory_space<vmem>>, vector<16xi32>,
    %broadcast_in_dim3A_374 = vector.shape_cast %select_n3A_50 : vector<16xi32> to vector<16x1xi32>
    %gather3A_375 = vector.shape_cast %broadcast_in_dim3A_374 : vector<16x1xi32> to vector<16xi32>
    %gather3A_376 = tpu.dynamic_gather %get3A_359[%gather3A_375] in [0] : vector<16xi32>, vector<16xi32> -> vector<16xi32>
    %broadcast_in_dim3A_377 = vector.shape_cast %select_n3A_50 : vector<16xi32> to vector<16x1xi32>
    %gather3A_378 = vector.shape_cast %broadcast_in_dim3A_377 : vector<16x1xi32> to vector<16xi32>
    %gather3A_379 = tpu.dynamic_gather %get3A_362[%gather3A_378] in [0] : vector<16xi32>, vector<16xi32> -> vector<16xi32>
    %select_n3A_380 = arith.select %lt3A_53, %gather3A_376, %gather3A_379 : vector<16xi1>, vector<16xi32>
    %swap3A_381 = arith.constant 112 : index
    %swap3A_382 = tpu.vector_load %arg8[%swap3A_381] {strides = array<i32>} : memref<128xi32, #tpu.memory_space<vmem>>, vector<16xi32>,
    %swap3A_383 = vector.shape_cast %swap3A_382 : vector<16xi32> to vector<16xi32>
    %swap3A_384 = vector.shape_cast %select_n3A_380 : vector<16xi32> to vector<16xi32>
    tpu.vector_store %arg8[%swap3A_381], %swap3A_384 {strides = array<i32>} : memref<128xi32, #tpu.memory_space<vmem>>, vector<16xi32>,
    %dma_start3A_385 = arith.constant 112 : i32
    %dma_start3A_386 = arith.constant 0 : i32
    %dma_start3A_387 = tpu.memref_slice %arg9[%dma_start3A_385, %dma_start3A_386] : memref<128x128xf32, #tpu.memory_space<vmem>> -> memref<16x128xf32, #tpu.memory_space<vmem>>
    %dma_start3A_388 = arith.constant 112 : i32
    %dma_start3A_389 = tpu.memref_slice %arg7[%dma_start3A_388] : memref<128xi32, #tpu.memory_space<vmem>> -> memref<16xi32, #tpu.memory_space<vmem>>
    %dma_start3A_390 = arith.constant 0 : i32
    %dma_start3A_391 = arith.constant 0 : i32
    %dma_start3A_392 = tpu.memref_slice %arg3[%dma_start3A_390, %dma_start3A_391] : memref<100000x128xf32, #tpu.memory_space<hbm>> -> memref<100000x128xf32, #tpu.memory_space<hbm>>
    tpu.enqueue_indirect_dma source(%dma_start3A_392 : memref<100000x128xf32, #tpu.memory_space<hbm>>) target(%dma_start3A_387 : memref<16x128xf32, #tpu.memory_space<vmem>>) offsets(%dma_start3A_389 : memref<16xi32, #tpu.memory_space<vmem>>) semaphore(%arg26 : memref<!tpu.dma_semaphore, #tpu.memory_space<semaphore_mem>>)
    %dma_start3A_393 = arith.constant 112 : i32
    %dma_start3A_394 = arith.constant 0 : i32
    %dma_start3A_395 = tpu.memref_slice %arg10[%dma_start3A_393, %dma_start3A_394] : memref<128x128xf32, #tpu.memory_space<vmem>> -> memref<16x128xf32, #tpu.memory_space<vmem>>
    %dma_start3A_396 = arith.constant 112 : i32
    %dma_start3A_397 = tpu.memref_slice %arg8[%dma_start3A_396] : memref<128xi32, #tpu.memory_space<vmem>> -> memref<16xi32, #tpu.memory_space<vmem>>
    %dma_start3A_398 = arith.constant 0 : i32
    %dma_start3A_399 = arith.constant 0 : i32
    %dma_start3A_400 = tpu.memref_slice %arg4[%dma_start3A_398, %dma_start3A_399] : memref<100000x128xf32, #tpu.memory_space<hbm>> -> memref<100000x128xf32, #tpu.memory_space<hbm>>
    tpu.enqueue_indirect_dma source(%dma_start3A_400 : memref<100000x128xf32, #tpu.memory_space<hbm>>) target(%dma_start3A_395 : memref<16x128xf32, #tpu.memory_space<vmem>>) offsets(%dma_start3A_397 : memref<16xi32, #tpu.memory_space<vmem>>) semaphore(%arg27 : memref<!tpu.dma_semaphore, #tpu.memory_space<semaphore_mem>>)
    %dma_wait3A = arith.constant 0 : i32
    %dma_wait3A_401 = arith.constant 0 : i32
    %dma_wait3A_402 = tpu.memref_slice %arg9[%dma_wait3A, %dma_wait3A_401] : memref<128x128xf32, #tpu.memory_space<vmem>> -> memref<16x128xf32, #tpu.memory_space<vmem>>
    %dma_wait3A_403 = arith.constant 0 : i32
    %dma_wait3A_404 = tpu.memref_slice %arg7[%dma_wait3A_403] : memref<128xi32, #tpu.memory_space<vmem>> -> memref<16xi32, #tpu.memory_space<vmem>>
    %dma_wait3A_405 = arith.constant 0 : i32
    %dma_wait3A_406 = arith.constant 0 : i32
    %dma_wait3A_407 = tpu.memref_slice %arg3[%dma_wait3A_405, %dma_wait3A_406] : memref<100000x128xf32, #tpu.memory_space<hbm>> -> memref<100000x128xf32, #tpu.memory_space<hbm>>
    tpu.wait_indirect_dma semaphore(%arg12 : memref<!tpu.dma_semaphore, #tpu.memory_space<semaphore_mem>>) src(%dma_wait3A_407 : memref<100000x128xf32, #tpu.memory_space<hbm>>) dst(%dma_wait3A_402 : memref<16x128xf32, #tpu.memory_space<vmem>>)
    %dma_wait3A_408 = arith.constant 0 : i32
    %dma_wait3A_409 = arith.constant 0 : i32
    %dma_wait3A_410 = tpu.memref_slice %arg10[%dma_wait3A_408, %dma_wait3A_409] : memref<128x128xf32, #tpu.memory_space<vmem>> -> memref<16x128xf32, #tpu.memory_space<vmem>>
    %dma_wait3A_411 = arith.constant 0 : i32
    %dma_wait3A_412 = tpu.memref_slice %arg8[%dma_wait3A_411] : memref<128xi32, #tpu.memory_space<vmem>> -> memref<16xi32, #tpu.memory_space<vmem>>
    %dma_wait3A_413 = arith.constant 0 : i32
    %dma_wait3A_414 = arith.constant 0 : i32
    %dma_wait3A_415 = tpu.memref_slice %arg4[%dma_wait3A_413, %dma_wait3A_414] : memref<100000x128xf32, #tpu.memory_space<hbm>> -> memref<100000x128xf32, #tpu.memory_space<hbm>>
    tpu.wait_indirect_dma semaphore(%arg13 : memref<!tpu.dma_semaphore, #tpu.memory_space<semaphore_mem>>) src(%dma_wait3A_415 : memref<100000x128xf32, #tpu.memory_space<hbm>>) dst(%dma_wait3A_410 : memref<16x128xf32, #tpu.memory_space<vmem>>)
    %add3A_416 = arith.constant 0 : i32
    %add3A_417 = arith.addi %mul3A_2, %add3A_416 : i32
    %dma_start3A_418 = arith.constant 0 : i32
    %dma_start3A_419 = arith.constant 0 : i32
    %dma_start3A_420 = tpu.memref_slice %arg9[%dma_start3A_418, %dma_start3A_419] : memref<128x128xf32, #tpu.memory_space<vmem>> -> memref<16x128xf32, #tpu.memory_space<vmem>>
    %dma_start3A_421 = arith.constant 0 : i32
    %dma_start3A_422 = tpu.memref_slice %arg5[%add3A_417, %dma_start3A_421] : memref<4096x128xf32, #tpu.memory_space<hbm>> -> memref<16x128xf32, #tpu.memory_space<hbm>>
    %dma_start3A_423 = arith.constant 0 : i32
    %dma_start3A_424 = tpu.memref_slice %arg5[%add3A_417, %dma_start3A_423] : memref<4096x128xf32, #tpu.memory_space<hbm>> -> memref<16x128xf32, #tpu.memory_space<hbm>>
    %dma_start3A_425 = arith.constant 0 : i32
    %dma_start3A_426 = arith.constant 0 : i32
    %dma_start3A_427 = tpu.memref_slice %arg9[%dma_start3A_425, %dma_start3A_426] : memref<128x128xf32, #tpu.memory_space<vmem>> -> memref<16x128xf32, #tpu.memory_space<vmem>>
    tpu.enqueue_dma source(%dma_start3A_427 : memref<16x128xf32, #tpu.memory_space<vmem>>) target(%dma_start3A_424 : memref<16x128xf32, #tpu.memory_space<hbm>>) target_semaphore(%arg28 : memref<!tpu.dma_semaphore, #tpu.memory_space<semaphore_mem>>)
    %dma_wait3A_428 = arith.constant 16 : i32
    %dma_wait3A_429 = arith.constant 0 : i32
    %dma_wait3A_430 = tpu.memref_slice %arg9[%dma_wait3A_428, %dma_wait3A_429] : memref<128x128xf32, #tpu.memory_space<vmem>> -> memref<16x128xf32, #tpu.memory_space<vmem>>
    %dma_wait3A_431 = arith.constant 16 : i32
    %dma_wait3A_432 = tpu.memref_slice %arg7[%dma_wait3A_431] : memref<128xi32, #tpu.memory_space<vmem>> -> memref<16xi32, #tpu.memory_space<vmem>>
    %dma_wait3A_433 = arith.constant 0 : i32
    %dma_wait3A_434 = arith.constant 0 : i32
    %dma_wait3A_435 = tpu.memref_slice %arg3[%dma_wait3A_433, %dma_wait3A_434] : memref<100000x128xf32, #tpu.memory_space<hbm>> -> memref<100000x128xf32, #tpu.memory_space<hbm>>
    tpu.wait_indirect_dma semaphore(%arg14 : memref<!tpu.dma_semaphore, #tpu.memory_space<semaphore_mem>>) src(%dma_wait3A_435 : memref<100000x128xf32, #tpu.memory_space<hbm>>) dst(%dma_wait3A_430 : memref<16x128xf32, #tpu.memory_space<vmem>>)
    %dma_wait3A_436 = arith.constant 16 : i32
    %dma_wait3A_437 = arith.constant 0 : i32
    %dma_wait3A_438 = tpu.memref_slice %arg10[%dma_wait3A_436, %dma_wait3A_437] : memref<128x128xf32, #tpu.memory_space<vmem>> -> memref<16x128xf32, #tpu.memory_space<vmem>>
    %dma_wait3A_439 = arith.constant 16 : i32
    %dma_wait3A_440 = tpu.memref_slice %arg8[%dma_wait3A_439] : memref<128xi32, #tpu.memory_space<vmem>> -> memref<16xi32, #tpu.memory_space<vmem>>
    %dma_wait3A_441 = arith.constant 0 : i32
    %dma_wait3A_442 = arith.constant 0 : i32
    %dma_wait3A_443 = tpu.memref_slice %arg4[%dma_wait3A_441, %dma_wait3A_442] : memref<100000x128xf32, #tpu.memory_space<hbm>> -> memref<100000x128xf32, #tpu.memory_space<hbm>>
    tpu.wait_indirect_dma semaphore(%arg15 : memref<!tpu.dma_semaphore, #tpu.memory_space<semaphore_mem>>) src(%dma_wait3A_443 : memref<100000x128xf32, #tpu.memory_space<hbm>>) dst(%dma_wait3A_438 : memref<16x128xf32, #tpu.memory_space<vmem>>)
    %add3A_444 = arith.constant 16 : i32
    %add3A_445 = arith.addi %mul3A_2, %add3A_444 : i32
    %dma_start3A_446 = arith.constant 16 : i32
    %dma_start3A_447 = arith.constant 0 : i32
    %dma_start3A_448 = tpu.memref_slice %arg9[%dma_start3A_446, %dma_start3A_447] : memref<128x128xf32, #tpu.memory_space<vmem>> -> memref<16x128xf32, #tpu.memory_space<vmem>>
    %dma_start3A_449 = arith.constant 0 : i32
    %dma_start3A_450 = tpu.memref_slice %arg5[%add3A_445, %dma_start3A_449] : memref<4096x128xf32, #tpu.memory_space<hbm>> -> memref<16x128xf32, #tpu.memory_space<hbm>>
    %dma_start3A_451 = arith.constant 0 : i32
    %dma_start3A_452 = tpu.memref_slice %arg5[%add3A_445, %dma_start3A_451] : memref<4096x128xf32, #tpu.memory_space<hbm>> -> memref<16x128xf32, #tpu.memory_space<hbm>>
    %dma_start3A_453 = arith.constant 16 : i32
    %dma_start3A_454 = arith.constant 0 : i32
    %dma_start3A_455 = tpu.memref_slice %arg9[%dma_start3A_453, %dma_start3A_454] : memref<128x128xf32, #tpu.memory_space<vmem>> -> memref<16x128xf32, #tpu.memory_space<vmem>>
    tpu.enqueue_dma source(%dma_start3A_455 : memref<16x128xf32, #tpu.memory_space<vmem>>) target(%dma_start3A_452 : memref<16x128xf32, #tpu.memory_space<hbm>>) target_semaphore(%arg29 : memref<!tpu.dma_semaphore, #tpu.memory_space<semaphore_mem>>)
    %dma_wait3A_456 = arith.constant 32 : i32
    %dma_wait3A_457 = arith.constant 0 : i32
    %dma_wait3A_458 = tpu.memref_slice %arg9[%dma_wait3A_456, %dma_wait3A_457] : memref<128x128xf32, #tpu.memory_space<vmem>> -> memref<16x128xf32, #tpu.memory_space<vmem>>
    %dma_wait3A_459 = arith.constant 32 : i32
    %dma_wait3A_460 = tpu.memref_slice %arg7[%dma_wait3A_459] : memref<128xi32, #tpu.memory_space<vmem>> -> memref<16xi32, #tpu.memory_space<vmem>>
    %dma_wait3A_461 = arith.constant 0 : i32
    %dma_wait3A_462 = arith.constant 0 : i32
    %dma_wait3A_463 = tpu.memref_slice %arg3[%dma_wait3A_461, %dma_wait3A_462] : memref<100000x128xf32, #tpu.memory_space<hbm>> -> memref<100000x128xf32, #tpu.memory_space<hbm>>
    tpu.wait_indirect_dma semaphore(%arg16 : memref<!tpu.dma_semaphore, #tpu.memory_space<semaphore_mem>>) src(%dma_wait3A_463 : memref<100000x128xf32, #tpu.memory_space<hbm>>) dst(%dma_wait3A_458 : memref<16x128xf32, #tpu.memory_space<vmem>>)
    %dma_wait3A_464 = arith.constant 32 : i32
    %dma_wait3A_465 = arith.constant 0 : i32
    %dma_wait3A_466 = tpu.memref_slice %arg10[%dma_wait3A_464, %dma_wait3A_465] : memref<128x128xf32, #tpu.memory_space<vmem>> -> memref<16x128xf32, #tpu.memory_space<vmem>>
    %dma_wait3A_467 = arith.constant 32 : i32
    %dma_wait3A_468 = tpu.memref_slice %arg8[%dma_wait3A_467] : memref<128xi32, #tpu.memory_space<vmem>> -> memref<16xi32, #tpu.memory_space<vmem>>
    %dma_wait3A_469 = arith.constant 0 : i32
    %dma_wait3A_470 = arith.constant 0 : i32
    %dma_wait3A_471 = tpu.memref_slice %arg4[%dma_wait3A_469, %dma_wait3A_470] : memref<100000x128xf32, #tpu.memory_space<hbm>> -> memref<100000x128xf32, #tpu.memory_space<hbm>>
    tpu.wait_indirect_dma semaphore(%arg17 : memref<!tpu.dma_semaphore, #tpu.memory_space<semaphore_mem>>) src(%dma_wait3A_471 : memref<100000x128xf32, #tpu.memory_space<hbm>>) dst(%dma_wait3A_466 : memref<16x128xf32, #tpu.memory_space<vmem>>)
    %add3A_472 = arith.constant 32 : i32
    %add3A_473 = arith.addi %mul3A_2, %add3A_472 : i32
    %dma_start3A_474 = arith.constant 32 : i32
    %dma_start3A_475 = arith.constant 0 : i32
    %dma_start3A_476 = tpu.memref_slice %arg9[%dma_start3A_474, %dma_start3A_475] : memref<128x128xf32, #tpu.memory_space<vmem>> -> memref<16x128xf32, #tpu.memory_space<vmem>>
    %dma_start3A_477 = arith.constant 0 : i32
    %dma_start3A_478 = tpu.memref_slice %arg5[%add3A_473, %dma_start3A_477] : memref<4096x128xf32, #tpu.memory_space<hbm>> -> memref<16x128xf32, #tpu.memory_space<hbm>>
    %dma_start3A_479 = arith.constant 0 : i32
    %dma_start3A_480 = tpu.memref_slice %arg5[%add3A_473, %dma_start3A_479] : memref<4096x128xf32, #tpu.memory_space<hbm>> -> memref<16x128xf32, #tpu.memory_space<hbm>>
    %dma_start3A_481 = arith.constant 32 : i32
    %dma_start3A_482 = arith.constant 0 : i32
    %dma_start3A_483 = tpu.memref_slice %arg9[%dma_start3A_481, %dma_start3A_482] : memref<128x128xf32, #tpu.memory_space<vmem>> -> memref<16x128xf32, #tpu.memory_space<vmem>>
    tpu.enqueue_dma source(%dma_start3A_483 : memref<16x128xf32, #tpu.memory_space<vmem>>) target(%dma_start3A_480 : memref<16x128xf32, #tpu.memory_space<hbm>>) target_semaphore(%arg30 : memref<!tpu.dma_semaphore, #tpu.memory_space<semaphore_mem>>)
    %dma_wait3A_484 = arith.constant 48 : i32
    %dma_wait3A_485 = arith.constant 0 : i32
    %dma_wait3A_486 = tpu.memref_slice %arg9[%dma_wait3A_484, %dma_wait3A_485] : memref<128x128xf32, #tpu.memory_space<vmem>> -> memref<16x128xf32, #tpu.memory_space<vmem>>
    %dma_wait3A_487 = arith.constant 48 : i32
    %dma_wait3A_488 = tpu.memref_slice %arg7[%dma_wait3A_487] : memref<128xi32, #tpu.memory_space<vmem>> -> memref<16xi32, #tpu.memory_space<vmem>>
    %dma_wait3A_489 = arith.constant 0 : i32
    %dma_wait3A_490 = arith.constant 0 : i32
    %dma_wait3A_491 = tpu.memref_slice %arg3[%dma_wait3A_489, %dma_wait3A_490] : memref<100000x128xf32, #tpu.memory_space<hbm>> -> memref<100000x128xf32, #tpu.memory_space<hbm>>
    tpu.wait_indirect_dma semaphore(%arg18 : memref<!tpu.dma_semaphore, #tpu.memory_space<semaphore_mem>>) src(%dma_wait3A_491 : memref<100000x128xf32, #tpu.memory_space<hbm>>) dst(%dma_wait3A_486 : memref<16x128xf32, #tpu.memory_space<vmem>>)
    %dma_wait3A_492 = arith.constant 48 : i32
    %dma_wait3A_493 = arith.constant 0 : i32
    %dma_wait3A_494 = tpu.memref_slice %arg10[%dma_wait3A_492, %dma_wait3A_493] : memref<128x128xf32, #tpu.memory_space<vmem>> -> memref<16x128xf32, #tpu.memory_space<vmem>>
    %dma_wait3A_495 = arith.constant 48 : i32
    %dma_wait3A_496 = tpu.memref_slice %arg8[%dma_wait3A_495] : memref<128xi32, #tpu.memory_space<vmem>> -> memref<16xi32, #tpu.memory_space<vmem>>
    %dma_wait3A_497 = arith.constant 0 : i32
    %dma_wait3A_498 = arith.constant 0 : i32
    %dma_wait3A_499 = tpu.memref_slice %arg4[%dma_wait3A_497, %dma_wait3A_498] : memref<100000x128xf32, #tpu.memory_space<hbm>> -> memref<100000x128xf32, #tpu.memory_space<hbm>>
    tpu.wait_indirect_dma semaphore(%arg19 : memref<!tpu.dma_semaphore, #tpu.memory_space<semaphore_mem>>) src(%dma_wait3A_499 : memref<100000x128xf32, #tpu.memory_space<hbm>>) dst(%dma_wait3A_494 : memref<16x128xf32, #tpu.memory_space<vmem>>)
    %add3A_500 = arith.constant 48 : i32
    %add3A_501 = arith.addi %mul3A_2, %add3A_500 : i32
    %dma_start3A_502 = arith.constant 48 : i32
    %dma_start3A_503 = arith.constant 0 : i32
    %dma_start3A_504 = tpu.memref_slice %arg9[%dma_start3A_502, %dma_start3A_503] : memref<128x128xf32, #tpu.memory_space<vmem>> -> memref<16x128xf32, #tpu.memory_space<vmem>>
    %dma_start3A_505 = arith.constant 0 : i32
    %dma_start3A_506 = tpu.memref_slice %arg5[%add3A_501, %dma_start3A_505] : memref<4096x128xf32, #tpu.memory_space<hbm>> -> memref<16x128xf32, #tpu.memory_space<hbm>>
    %dma_start3A_507 = arith.constant 0 : i32
    %dma_start3A_508 = tpu.memref_slice %arg5[%add3A_501, %dma_start3A_507] : memref<4096x128xf32, #tpu.memory_space<hbm>> -> memref<16x128xf32, #tpu.memory_space<hbm>>
    %dma_start3A_509 = arith.constant 48 : i32
    %dma_start3A_510 = arith.constant 0 : i32
    %dma_start3A_511 = tpu.memref_slice %arg9[%dma_start3A_509, %dma_start3A_510] : memref<128x128xf32, #tpu.memory_space<vmem>> -> memref<16x128xf32, #tpu.memory_space<vmem>>
    tpu.enqueue_dma source(%dma_start3A_511 : memref<16x128xf32, #tpu.memory_space<vmem>>) target(%dma_start3A_508 : memref<16x128xf32, #tpu.memory_space<hbm>>) target_semaphore(%arg31 : memref<!tpu.dma_semaphore, #tpu.memory_space<semaphore_mem>>)
    %dma_wait3A_512 = arith.constant 64 : i32
    %dma_wait3A_513 = arith.constant 0 : i32
    %dma_wait3A_514 = tpu.memref_slice %arg9[%dma_wait3A_512, %dma_wait3A_513] : memref<128x128xf32, #tpu.memory_space<vmem>> -> memref<16x128xf32, #tpu.memory_space<vmem>>
    %dma_wait3A_515 = arith.constant 64 : i32
    %dma_wait3A_516 = tpu.memref_slice %arg7[%dma_wait3A_515] : memref<128xi32, #tpu.memory_space<vmem>> -> memref<16xi32, #tpu.memory_space<vmem>>
    %dma_wait3A_517 = arith.constant 0 : i32
    %dma_wait3A_518 = arith.constant 0 : i32
    %dma_wait3A_519 = tpu.memref_slice %arg3[%dma_wait3A_517, %dma_wait3A_518] : memref<100000x128xf32, #tpu.memory_space<hbm>> -> memref<100000x128xf32, #tpu.memory_space<hbm>>
    tpu.wait_indirect_dma semaphore(%arg20 : memref<!tpu.dma_semaphore, #tpu.memory_space<semaphore_mem>>) src(%dma_wait3A_519 : memref<100000x128xf32, #tpu.memory_space<hbm>>) dst(%dma_wait3A_514 : memref<16x128xf32, #tpu.memory_space<vmem>>)
    %dma_wait3A_520 = arith.constant 64 : i32
    %dma_wait3A_521 = arith.constant 0 : i32
    %dma_wait3A_522 = tpu.memref_slice %arg10[%dma_wait3A_520, %dma_wait3A_521] : memref<128x128xf32, #tpu.memory_space<vmem>> -> memref<16x128xf32, #tpu.memory_space<vmem>>
    %dma_wait3A_523 = arith.constant 64 : i32
    %dma_wait3A_524 = tpu.memref_slice %arg8[%dma_wait3A_523] : memref<128xi32, #tpu.memory_space<vmem>> -> memref<16xi32, #tpu.memory_space<vmem>>
    %dma_wait3A_525 = arith.constant 0 : i32
    %dma_wait3A_526 = arith.constant 0 : i32
    %dma_wait3A_527 = tpu.memref_slice %arg4[%dma_wait3A_525, %dma_wait3A_526] : memref<100000x128xf32, #tpu.memory_space<hbm>> -> memref<100000x128xf32, #tpu.memory_space<hbm>>
    tpu.wait_indirect_dma semaphore(%arg21 : memref<!tpu.dma_semaphore, #tpu.memory_space<semaphore_mem>>) src(%dma_wait3A_527 : memref<100000x128xf32, #tpu.memory_space<hbm>>) dst(%dma_wait3A_522 : memref<16x128xf32, #tpu.memory_space<vmem>>)
    %add3A_528 = arith.constant 64 : i32
    %add3A_529 = arith.addi %mul3A_2, %add3A_528 : i32
    %dma_start3A_530 = arith.constant 64 : i32
    %dma_start3A_531 = arith.constant 0 : i32
    %dma_start3A_532 = tpu.memref_slice %arg9[%dma_start3A_530, %dma_start3A_531] : memref<128x128xf32, #tpu.memory_space<vmem>> -> memref<16x128xf32, #tpu.memory_space<vmem>>
    %dma_start3A_533 = arith.constant 0 : i32
    %dma_start3A_534 = tpu.memref_slice %arg5[%add3A_529, %dma_start3A_533] : memref<4096x128xf32, #tpu.memory_space<hbm>> -> memref<16x128xf32, #tpu.memory_space<hbm>>
    %dma_start3A_535 = arith.constant 0 : i32
    %dma_start3A_536 = tpu.memref_slice %arg5[%add3A_529, %dma_start3A_535] : memref<4096x128xf32, #tpu.memory_space<hbm>> -> memref<16x128xf32, #tpu.memory_space<hbm>>
    %dma_start3A_537 = arith.constant 64 : i32
    %dma_start3A_538 = arith.constant 0 : i32
    %dma_start3A_539 = tpu.memref_slice %arg9[%dma_start3A_537, %dma_start3A_538] : memref<128x128xf32, #tpu.memory_space<vmem>> -> memref<16x128xf32, #tpu.memory_space<vmem>>
    tpu.enqueue_dma source(%dma_start3A_539 : memref<16x128xf32, #tpu.memory_space<vmem>>) target(%dma_start3A_536 : memref<16x128xf32, #tpu.memory_space<hbm>>) target_semaphore(%arg32 : memref<!tpu.dma_semaphore, #tpu.memory_space<semaphore_mem>>)
    %dma_wait3A_540 = arith.constant 80 : i32
    %dma_wait3A_541 = arith.constant 0 : i32
    %dma_wait3A_542 = tpu.memref_slice %arg9[%dma_wait3A_540, %dma_wait3A_541] : memref<128x128xf32, #tpu.memory_space<vmem>> -> memref<16x128xf32, #tpu.memory_space<vmem>>
    %dma_wait3A_543 = arith.constant 80 : i32
    %dma_wait3A_544 = tpu.memref_slice %arg7[%dma_wait3A_543] : memref<128xi32, #tpu.memory_space<vmem>> -> memref<16xi32, #tpu.memory_space<vmem>>
    %dma_wait3A_545 = arith.constant 0 : i32
    %dma_wait3A_546 = arith.constant 0 : i32
    %dma_wait3A_547 = tpu.memref_slice %arg3[%dma_wait3A_545, %dma_wait3A_546] : memref<100000x128xf32, #tpu.memory_space<hbm>> -> memref<100000x128xf32, #tpu.memory_space<hbm>>
    tpu.wait_indirect_dma semaphore(%arg22 : memref<!tpu.dma_semaphore, #tpu.memory_space<semaphore_mem>>) src(%dma_wait3A_547 : memref<100000x128xf32, #tpu.memory_space<hbm>>) dst(%dma_wait3A_542 : memref<16x128xf32, #tpu.memory_space<vmem>>)
    %dma_wait3A_548 = arith.constant 80 : i32
    %dma_wait3A_549 = arith.constant 0 : i32
    %dma_wait3A_550 = tpu.memref_slice %arg10[%dma_wait3A_548, %dma_wait3A_549] : memref<128x128xf32, #tpu.memory_space<vmem>> -> memref<16x128xf32, #tpu.memory_space<vmem>>
    %dma_wait3A_551 = arith.constant 80 : i32
    %dma_wait3A_552 = tpu.memref_slice %arg8[%dma_wait3A_551] : memref<128xi32, #tpu.memory_space<vmem>> -> memref<16xi32, #tpu.memory_space<vmem>>
    %dma_wait3A_553 = arith.constant 0 : i32
    %dma_wait3A_554 = arith.constant 0 : i32
    %dma_wait3A_555 = tpu.memref_slice %arg4[%dma_wait3A_553, %dma_wait3A_554] : memref<100000x128xf32, #tpu.memory_space<hbm>> -> memref<100000x128xf32, #tpu.memory_space<hbm>>
    tpu.wait_indirect_dma semaphore(%arg23 : memref<!tpu.dma_semaphore, #tpu.memory_space<semaphore_mem>>) src(%dma_wait3A_555 : memref<100000x128xf32, #tpu.memory_space<hbm>>) dst(%dma_wait3A_550 : memref<16x128xf32, #tpu.memory_space<vmem>>)
    %add3A_556 = arith.constant 80 : i32
    %add3A_557 = arith.addi %mul3A_2, %add3A_556 : i32
    %dma_start3A_558 = arith.constant 80 : i32
    %dma_start3A_559 = arith.constant 0 : i32
    %dma_start3A_560 = tpu.memref_slice %arg9[%dma_start3A_558, %dma_start3A_559] : memref<128x128xf32, #tpu.memory_space<vmem>> -> memref<16x128xf32, #tpu.memory_space<vmem>>
    %dma_start3A_561 = arith.constant 0 : i32
    %dma_start3A_562 = tpu.memref_slice %arg5[%add3A_557, %dma_start3A_561] : memref<4096x128xf32, #tpu.memory_space<hbm>> -> memref<16x128xf32, #tpu.memory_space<hbm>>
    %dma_start3A_563 = arith.constant 0 : i32
    %dma_start3A_564 = tpu.memref_slice %arg5[%add3A_557, %dma_start3A_563] : memref<4096x128xf32, #tpu.memory_space<hbm>> -> memref<16x128xf32, #tpu.memory_space<hbm>>
    %dma_start3A_565 = arith.constant 80 : i32
    %dma_start3A_566 = arith.constant 0 : i32
    %dma_start3A_567 = tpu.memref_slice %arg9[%dma_start3A_565, %dma_start3A_566] : memref<128x128xf32, #tpu.memory_space<vmem>> -> memref<16x128xf32, #tpu.memory_space<vmem>>
    tpu.enqueue_dma source(%dma_start3A_567 : memref<16x128xf32, #tpu.memory_space<vmem>>) target(%dma_start3A_564 : memref<16x128xf32, #tpu.memory_space<hbm>>) target_semaphore(%arg33 : memref<!tpu.dma_semaphore, #tpu.memory_space<semaphore_mem>>)
    %dma_wait3A_568 = arith.constant 96 : i32
    %dma_wait3A_569 = arith.constant 0 : i32
    %dma_wait3A_570 = tpu.memref_slice %arg9[%dma_wait3A_568, %dma_wait3A_569] : memref<128x128xf32, #tpu.memory_space<vmem>> -> memref<16x128xf32, #tpu.memory_space<vmem>>
    %dma_wait3A_571 = arith.constant 96 : i32
    %dma_wait3A_572 = tpu.memref_slice %arg7[%dma_wait3A_571] : memref<128xi32, #tpu.memory_space<vmem>> -> memref<16xi32, #tpu.memory_space<vmem>>
    %dma_wait3A_573 = arith.constant 0 : i32
    %dma_wait3A_574 = arith.constant 0 : i32
    %dma_wait3A_575 = tpu.memref_slice %arg3[%dma_wait3A_573, %dma_wait3A_574] : memref<100000x128xf32, #tpu.memory_space<hbm>> -> memref<100000x128xf32, #tpu.memory_space<hbm>>
    tpu.wait_indirect_dma semaphore(%arg24 : memref<!tpu.dma_semaphore, #tpu.memory_space<semaphore_mem>>) src(%dma_wait3A_575 : memref<100000x128xf32, #tpu.memory_space<hbm>>) dst(%dma_wait3A_570 : memref<16x128xf32, #tpu.memory_space<vmem>>)
    %dma_wait3A_576 = arith.constant 96 : i32
    %dma_wait3A_577 = arith.constant 0 : i32
    %dma_wait3A_578 = tpu.memref_slice %arg10[%dma_wait3A_576, %dma_wait3A_577] : memref<128x128xf32, #tpu.memory_space<vmem>> -> memref<16x128xf32, #tpu.memory_space<vmem>>
    %dma_wait3A_579 = arith.constant 96 : i32
    %dma_wait3A_580 = tpu.memref_slice %arg8[%dma_wait3A_579] : memref<128xi32, #tpu.memory_space<vmem>> -> memref<16xi32, #tpu.memory_space<vmem>>
    %dma_wait3A_581 = arith.constant 0 : i32
    %dma_wait3A_582 = arith.constant 0 : i32
    %dma_wait3A_583 = tpu.memref_slice %arg4[%dma_wait3A_581, %dma_wait3A_582] : memref<100000x128xf32, #tpu.memory_space<hbm>> -> memref<100000x128xf32, #tpu.memory_space<hbm>>
    tpu.wait_indirect_dma semaphore(%arg25 : memref<!tpu.dma_semaphore, #tpu.memory_space<semaphore_mem>>) src(%dma_wait3A_583 : memref<100000x128xf32, #tpu.memory_space<hbm>>) dst(%dma_wait3A_578 : memref<16x128xf32, #tpu.memory_space<vmem>>)
    %add3A_584 = arith.constant 96 : i32
    %add3A_585 = arith.addi %mul3A_2, %add3A_584 : i32
    %dma_start3A_586 = arith.constant 96 : i32
    %dma_start3A_587 = arith.constant 0 : i32
    %dma_start3A_588 = tpu.memref_slice %arg9[%dma_start3A_586, %dma_start3A_587] : memref<128x128xf32, #tpu.memory_space<vmem>> -> memref<16x128xf32, #tpu.memory_space<vmem>>
    %dma_start3A_589 = arith.constant 0 : i32
    %dma_start3A_590 = tpu.memref_slice %arg5[%add3A_585, %dma_start3A_589] : memref<4096x128xf32, #tpu.memory_space<hbm>> -> memref<16x128xf32, #tpu.memory_space<hbm>>
    %dma_start3A_591 = arith.constant 0 : i32
    %dma_start3A_592 = tpu.memref_slice %arg5[%add3A_585, %dma_start3A_591] : memref<4096x128xf32, #tpu.memory_space<hbm>> -> memref<16x128xf32, #tpu.memory_space<hbm>>
    %dma_start3A_593 = arith.constant 96 : i32
    %dma_start3A_594 = arith.constant 0 : i32
    %dma_start3A_595 = tpu.memref_slice %arg9[%dma_start3A_593, %dma_start3A_594] : memref<128x128xf32, #tpu.memory_space<vmem>> -> memref<16x128xf32, #tpu.memory_space<vmem>>
    tpu.enqueue_dma source(%dma_start3A_595 : memref<16x128xf32, #tpu.memory_space<vmem>>) target(%dma_start3A_592 : memref<16x128xf32, #tpu.memory_space<hbm>>) target_semaphore(%arg34 : memref<!tpu.dma_semaphore, #tpu.memory_space<semaphore_mem>>)
    %dma_wait3A_596 = arith.constant 112 : i32
    %dma_wait3A_597 = arith.constant 0 : i32
    %dma_wait3A_598 = tpu.memref_slice %arg9[%dma_wait3A_596, %dma_wait3A_597] : memref<128x128xf32, #tpu.memory_space<vmem>> -> memref<16x128xf32, #tpu.memory_space<vmem>>
    %dma_wait3A_599 = arith.constant 112 : i32
    %dma_wait3A_600 = tpu.memref_slice %arg7[%dma_wait3A_599] : memref<128xi32, #tpu.memory_space<vmem>> -> memref<16xi32, #tpu.memory_space<vmem>>
    %dma_wait3A_601 = arith.constant 0 : i32
    %dma_wait3A_602 = arith.constant 0 : i32
    %dma_wait3A_603 = tpu.memref_slice %arg3[%dma_wait3A_601, %dma_wait3A_602] : memref<100000x128xf32, #tpu.memory_space<hbm>> -> memref<100000x128xf32, #tpu.memory_space<hbm>>
    tpu.wait_indirect_dma semaphore(%arg26 : memref<!tpu.dma_semaphore, #tpu.memory_space<semaphore_mem>>) src(%dma_wait3A_603 : memref<100000x128xf32, #tpu.memory_space<hbm>>) dst(%dma_wait3A_598 : memref<16x128xf32, #tpu.memory_space<vmem>>)
    %dma_wait3A_604 = arith.constant 112 : i32
    %dma_wait3A_605 = arith.constant 0 : i32
    %dma_wait3A_606 = tpu.memref_slice %arg10[%dma_wait3A_604, %dma_wait3A_605] : memref<128x128xf32, #tpu.memory_space<vmem>> -> memref<16x128xf32, #tpu.memory_space<vmem>>
    %dma_wait3A_607 = arith.constant 112 : i32
    %dma_wait3A_608 = tpu.memref_slice %arg8[%dma_wait3A_607] : memref<128xi32, #tpu.memory_space<vmem>> -> memref<16xi32, #tpu.memory_space<vmem>>
    %dma_wait3A_609 = arith.constant 0 : i32
    %dma_wait3A_610 = arith.constant 0 : i32
    %dma_wait3A_611 = tpu.memref_slice %arg4[%dma_wait3A_609, %dma_wait3A_610] : memref<100000x128xf32, #tpu.memory_space<hbm>> -> memref<100000x128xf32, #tpu.memory_space<hbm>>
    tpu.wait_indirect_dma semaphore(%arg27 : memref<!tpu.dma_semaphore, #tpu.memory_space<semaphore_mem>>) src(%dma_wait3A_611 : memref<100000x128xf32, #tpu.memory_space<hbm>>) dst(%dma_wait3A_606 : memref<16x128xf32, #tpu.memory_space<vmem>>)
    %add3A_612 = arith.constant 112 : i32
    %add3A_613 = arith.addi %mul3A_2, %add3A_612 : i32
    %dma_start3A_614 = arith.constant 112 : i32
    %dma_start3A_615 = arith.constant 0 : i32
    %dma_start3A_616 = tpu.memref_slice %arg9[%dma_start3A_614, %dma_start3A_615] : memref<128x128xf32, #tpu.memory_space<vmem>> -> memref<16x128xf32, #tpu.memory_space<vmem>>
    %dma_start3A_617 = arith.constant 0 : i32
    %dma_start3A_618 = tpu.memref_slice %arg5[%add3A_613, %dma_start3A_617] : memref<4096x128xf32, #tpu.memory_space<hbm>> -> memref<16x128xf32, #tpu.memory_space<hbm>>
    %dma_start3A_619 = arith.constant 0 : i32
    %dma_start3A_620 = tpu.memref_slice %arg5[%add3A_613, %dma_start3A_619] : memref<4096x128xf32, #tpu.memory_space<hbm>> -> memref<16x128xf32, #tpu.memory_space<hbm>>
    %dma_start3A_621 = arith.constant 112 : i32
    %dma_start3A_622 = arith.constant 0 : i32
    %dma_start3A_623 = tpu.memref_slice %arg9[%dma_start3A_621, %dma_start3A_622] : memref<128x128xf32, #tpu.memory_space<vmem>> -> memref<16x128xf32, #tpu.memory_space<vmem>>
    tpu.enqueue_dma source(%dma_start3A_623 : memref<16x128xf32, #tpu.memory_space<vmem>>) target(%dma_start3A_620 : memref<16x128xf32, #tpu.memory_space<hbm>>) target_semaphore(%arg35 : memref<!tpu.dma_semaphore, #tpu.memory_space<semaphore_mem>>)
    %dma_wait3A_624 = arith.constant 0 : i32
    %dma_wait3A_625 = arith.constant 0 : i32
    %dma_wait3A_626 = tpu.memref_slice %arg9[%dma_wait3A_624, %dma_wait3A_625] : memref<128x128xf32, #tpu.memory_space<vmem>> -> memref<16x128xf32, #tpu.memory_space<vmem>>
    %dma_wait3A_627 = arith.constant 0 : i32
    %dma_wait3A_628 = tpu.memref_slice %arg5[%add3A_417, %dma_wait3A_627] : memref<4096x128xf32, #tpu.memory_space<hbm>> -> memref<16x128xf32, #tpu.memory_space<hbm>>
    %dma_wait3A_629 = arith.constant 0 : i32
    %dma_wait3A_630 = tpu.memref_slice %arg5[%add3A_417, %dma_wait3A_629] : memref<4096x128xf32, #tpu.memory_space<hbm>> -> memref<16x128xf32, #tpu.memory_space<hbm>>
    %dma_wait3A_631 = arith.constant 0 : i32
    %dma_wait3A_632 = arith.constant 0 : i32
    %dma_wait3A_633 = tpu.memref_slice %arg9[%dma_wait3A_631, %dma_wait3A_632] : memref<128x128xf32, #tpu.memory_space<vmem>> -> memref<16x128xf32, #tpu.memory_space<vmem>>
    tpu.wait_dma2 semaphore(%arg28 : memref<!tpu.dma_semaphore, #tpu.memory_space<semaphore_mem>>) src(%dma_wait3A_633 : memref<16x128xf32, #tpu.memory_space<vmem>>) dst(%dma_wait3A_630 : memref<16x128xf32, #tpu.memory_space<hbm>>)
    %dma_wait3A_634 = arith.constant 16 : i32
    %dma_wait3A_635 = arith.constant 0 : i32
    %dma_wait3A_636 = tpu.memref_slice %arg9[%dma_wait3A_634, %dma_wait3A_635] : memref<128x128xf32, #tpu.memory_space<vmem>> -> memref<16x128xf32, #tpu.memory_space<vmem>>
    %dma_wait3A_637 = arith.constant 0 : i32
    %dma_wait3A_638 = tpu.memref_slice %arg5[%add3A_445, %dma_wait3A_637] : memref<4096x128xf32, #tpu.memory_space<hbm>> -> memref<16x128xf32, #tpu.memory_space<hbm>>
    %dma_wait3A_639 = arith.constant 0 : i32
    %dma_wait3A_640 = tpu.memref_slice %arg5[%add3A_445, %dma_wait3A_639] : memref<4096x128xf32, #tpu.memory_space<hbm>> -> memref<16x128xf32, #tpu.memory_space<hbm>>
    %dma_wait3A_641 = arith.constant 16 : i32
    %dma_wait3A_642 = arith.constant 0 : i32
    %dma_wait3A_643 = tpu.memref_slice %arg9[%dma_wait3A_641, %dma_wait3A_642] : memref<128x128xf32, #tpu.memory_space<vmem>> -> memref<16x128xf32, #tpu.memory_space<vmem>>
    tpu.wait_dma2 semaphore(%arg29 : memref<!tpu.dma_semaphore, #tpu.memory_space<semaphore_mem>>) src(%dma_wait3A_643 : memref<16x128xf32, #tpu.memory_space<vmem>>) dst(%dma_wait3A_640 : memref<16x128xf32, #tpu.memory_space<hbm>>)
    %dma_wait3A_644 = arith.constant 32 : i32
    %dma_wait3A_645 = arith.constant 0 : i32
    %dma_wait3A_646 = tpu.memref_slice %arg9[%dma_wait3A_644, %dma_wait3A_645] : memref<128x128xf32, #tpu.memory_space<vmem>> -> memref<16x128xf32, #tpu.memory_space<vmem>>
    %dma_wait3A_647 = arith.constant 0 : i32
    %dma_wait3A_648 = tpu.memref_slice %arg5[%add3A_473, %dma_wait3A_647] : memref<4096x128xf32, #tpu.memory_space<hbm>> -> memref<16x128xf32, #tpu.memory_space<hbm>>
    %dma_wait3A_649 = arith.constant 0 : i32
    %dma_wait3A_650 = tpu.memref_slice %arg5[%add3A_473, %dma_wait3A_649] : memref<4096x128xf32, #tpu.memory_space<hbm>> -> memref<16x128xf32, #tpu.memory_space<hbm>>
    %dma_wait3A_651 = arith.constant 32 : i32
    %dma_wait3A_652 = arith.constant 0 : i32
    %dma_wait3A_653 = tpu.memref_slice %arg9[%dma_wait3A_651, %dma_wait3A_652] : memref<128x128xf32, #tpu.memory_space<vmem>> -> memref<16x128xf32, #tpu.memory_space<vmem>>
    tpu.wait_dma2 semaphore(%arg30 : memref<!tpu.dma_semaphore, #tpu.memory_space<semaphore_mem>>) src(%dma_wait3A_653 : memref<16x128xf32, #tpu.memory_space<vmem>>) dst(%dma_wait3A_650 : memref<16x128xf32, #tpu.memory_space<hbm>>)
    %dma_wait3A_654 = arith.constant 48 : i32
    %dma_wait3A_655 = arith.constant 0 : i32
    %dma_wait3A_656 = tpu.memref_slice %arg9[%dma_wait3A_654, %dma_wait3A_655] : memref<128x128xf32, #tpu.memory_space<vmem>> -> memref<16x128xf32, #tpu.memory_space<vmem>>
    %dma_wait3A_657 = arith.constant 0 : i32
    %dma_wait3A_658 = tpu.memref_slice %arg5[%add3A_501, %dma_wait3A_657] : memref<4096x128xf32, #tpu.memory_space<hbm>> -> memref<16x128xf32, #tpu.memory_space<hbm>>
    %dma_wait3A_659 = arith.constant 0 : i32
    %dma_wait3A_660 = tpu.memref_slice %arg5[%add3A_501, %dma_wait3A_659] : memref<4096x128xf32, #tpu.memory_space<hbm>> -> memref<16x128xf32, #tpu.memory_space<hbm>>
    %dma_wait3A_661 = arith.constant 48 : i32
    %dma_wait3A_662 = arith.constant 0 : i32
    %dma_wait3A_663 = tpu.memref_slice %arg9[%dma_wait3A_661, %dma_wait3A_662] : memref<128x128xf32, #tpu.memory_space<vmem>> -> memref<16x128xf32, #tpu.memory_space<vmem>>
    tpu.wait_dma2 semaphore(%arg31 : memref<!tpu.dma_semaphore, #tpu.memory_space<semaphore_mem>>) src(%dma_wait3A_663 : memref<16x128xf32, #tpu.memory_space<vmem>>) dst(%dma_wait3A_660 : memref<16x128xf32, #tpu.memory_space<hbm>>)
    %dma_wait3A_664 = arith.constant 64 : i32
    %dma_wait3A_665 = arith.constant 0 : i32
    %dma_wait3A_666 = tpu.memref_slice %arg9[%dma_wait3A_664, %dma_wait3A_665] : memref<128x128xf32, #tpu.memory_space<vmem>> -> memref<16x128xf32, #tpu.memory_space<vmem>>
    %dma_wait3A_667 = arith.constant 0 : i32
    %dma_wait3A_668 = tpu.memref_slice %arg5[%add3A_529, %dma_wait3A_667] : memref<4096x128xf32, #tpu.memory_space<hbm>> -> memref<16x128xf32, #tpu.memory_space<hbm>>
    %dma_wait3A_669 = arith.constant 0 : i32
    %dma_wait3A_670 = tpu.memref_slice %arg5[%add3A_529, %dma_wait3A_669] : memref<4096x128xf32, #tpu.memory_space<hbm>> -> memref<16x128xf32, #tpu.memory_space<hbm>>
    %dma_wait3A_671 = arith.constant 64 : i32
    %dma_wait3A_672 = arith.constant 0 : i32
    %dma_wait3A_673 = tpu.memref_slice %arg9[%dma_wait3A_671, %dma_wait3A_672] : memref<128x128xf32, #tpu.memory_space<vmem>> -> memref<16x128xf32, #tpu.memory_space<vmem>>
    tpu.wait_dma2 semaphore(%arg32 : memref<!tpu.dma_semaphore, #tpu.memory_space<semaphore_mem>>) src(%dma_wait3A_673 : memref<16x128xf32, #tpu.memory_space<vmem>>) dst(%dma_wait3A_670 : memref<16x128xf32, #tpu.memory_space<hbm>>)
    %dma_wait3A_674 = arith.constant 80 : i32
    %dma_wait3A_675 = arith.constant 0 : i32
    %dma_wait3A_676 = tpu.memref_slice %arg9[%dma_wait3A_674, %dma_wait3A_675] : memref<128x128xf32, #tpu.memory_space<vmem>> -> memref<16x128xf32, #tpu.memory_space<vmem>>
    %dma_wait3A_677 = arith.constant 0 : i32
    %dma_wait3A_678 = tpu.memref_slice %arg5[%add3A_557, %dma_wait3A_677] : memref<4096x128xf32, #tpu.memory_space<hbm>> -> memref<16x128xf32, #tpu.memory_space<hbm>>
    %dma_wait3A_679 = arith.constant 0 : i32
    %dma_wait3A_680 = tpu.memref_slice %arg5[%add3A_557, %dma_wait3A_679] : memref<4096x128xf32, #tpu.memory_space<hbm>> -> memref<16x128xf32, #tpu.memory_space<hbm>>
    %dma_wait3A_681 = arith.constant 80 : i32
    %dma_wait3A_682 = arith.constant 0 : i32
    %dma_wait3A_683 = tpu.memref_slice %arg9[%dma_wait3A_681, %dma_wait3A_682] : memref<128x128xf32, #tpu.memory_space<vmem>> -> memref<16x128xf32, #tpu.memory_space<vmem>>
    tpu.wait_dma2 semaphore(%arg33 : memref<!tpu.dma_semaphore, #tpu.memory_space<semaphore_mem>>) src(%dma_wait3A_683 : memref<16x128xf32, #tpu.memory_space<vmem>>) dst(%dma_wait3A_680 : memref<16x128xf32, #tpu.memory_space<hbm>>)
    %dma_wait3A_684 = arith.constant 96 : i32
    %dma_wait3A_685 = arith.constant 0 : i32
    %dma_wait3A_686 = tpu.memref_slice %arg9[%dma_wait3A_684, %dma_wait3A_685] : memref<128x128xf32, #tpu.memory_space<vmem>> -> memref<16x128xf32, #tpu.memory_space<vmem>>
    %dma_wait3A_687 = arith.constant 0 : i32
    %dma_wait3A_688 = tpu.memref_slice %arg5[%add3A_585, %dma_wait3A_687] : memref<4096x128xf32, #tpu.memory_space<hbm>> -> memref<16x128xf32, #tpu.memory_space<hbm>>
    %dma_wait3A_689 = arith.constant 0 : i32
    %dma_wait3A_690 = tpu.memref_slice %arg5[%add3A_585, %dma_wait3A_689] : memref<4096x128xf32, #tpu.memory_space<hbm>> -> memref<16x128xf32, #tpu.memory_space<hbm>>
    %dma_wait3A_691 = arith.constant 96 : i32
    %dma_wait3A_692 = arith.constant 0 : i32
    %dma_wait3A_693 = tpu.memref_slice %arg9[%dma_wait3A_691, %dma_wait3A_692] : memref<128x128xf32, #tpu.memory_space<vmem>> -> memref<16x128xf32, #tpu.memory_space<vmem>>
    tpu.wait_dma2 semaphore(%arg34 : memref<!tpu.dma_semaphore, #tpu.memory_space<semaphore_mem>>) src(%dma_wait3A_693 : memref<16x128xf32, #tpu.memory_space<vmem>>) dst(%dma_wait3A_690 : memref<16x128xf32, #tpu.memory_space<hbm>>)
    %dma_wait3A_694 = arith.constant 112 : i32
    %dma_wait3A_695 = arith.constant 0 : i32
    %dma_wait3A_696 = tpu.memref_slice %arg9[%dma_wait3A_694, %dma_wait3A_695] : memref<128x128xf32, #tpu.memory_space<vmem>> -> memref<16x128xf32, #tpu.memory_space<vmem>>
    %dma_wait3A_697 = arith.constant 0 : i32
    %dma_wait3A_698 = tpu.memref_slice %arg5[%add3A_613, %dma_wait3A_697] : memref<4096x128xf32, #tpu.memory_space<hbm>> -> memref<16x128xf32, #tpu.memory_space<hbm>>
    %dma_wait3A_699 = arith.constant 0 : i32
    %dma_wait3A_700 = tpu.memref_slice %arg5[%add3A_613, %dma_wait3A_699] : memref<4096x128xf32, #tpu.memory_space<hbm>> -> memref<16x128xf32, #tpu.memory_space<hbm>>
    %dma_wait3A_701 = arith.constant 112 : i32
    %dma_wait3A_702 = arith.constant 0 : i32
    %dma_wait3A_703 = tpu.memref_slice %arg9[%dma_wait3A_701, %dma_wait3A_702] : memref<128x128xf32, #tpu.memory_space<vmem>> -> memref<16x128xf32, #tpu.memory_space<vmem>>
    tpu.wait_dma2 semaphore(%arg35 : memref<!tpu.dma_semaphore, #tpu.memory_space<semaphore_mem>>) src(%dma_wait3A_703 : memref<16x128xf32, #tpu.memory_space<vmem>>) dst(%dma_wait3A_700 : memref<16x128xf32, #tpu.memory_space<hbm>>)
    return
  }
}

module attributes {stable_mosaic.version = 14 : i64} {
  func.func @mm_body(%arg0: i32, %arg1: memref<1000x128xf32, #tpu.memory_space<vmem>>, %arg2: memref<1024x128xf32, #tpu.memory_space<vmem>>, %arg3: memref<1000x1024xf32, #tpu.memory_space<vmem>>) attributes {dimension_semantics = [#tpu.dimension_semantics<arbitrary>], iteration_bounds = array<i64: 4>, scalar_prefetch = 0 : i64, scratch_operands = 0 : i64, tpu.core_type = #tpu.core_type<tc>, window_params = [{pipeline_mode = #tpu.pipeline_mode<synchronous>, transform_indices = @transform_0, window_bounds = array<i64: 1000, 128>}, {transform_indices = @transform_1, window_bounds = array<i64: 1024, 128>}, {transform_indices = @transform_2, window_bounds = array<i64: 1000, 1024>}]} {
    %get3A = arith.constant 0 : index
    %get3A_0 = arith.constant 0 : index
    %get3A_1 = vector.load %arg1[%get3A, %get3A_0] : memref<1000x128xf32, #tpu.memory_space<vmem>>, vector<1000x128xf32>
    %get3A_2 = arith.constant 0 : index
    %get3A_3 = arith.constant 0 : index
    %get3A_4 = vector.load %arg2[%get3A_2, %get3A_3] : memref<1024x128xf32, #tpu.memory_space<vmem>>, vector<1024x128xf32>
    %dot_general3A = arith.constant dense<0.000000e+00> : vector<1000x1024xf32>
    %dot_general3A_5 = tpu.matmul %get3A_1, %get3A_4, %dot_general3A {dimension_numbers = #tpu.dot_dimension_numbers<[1], [1], [0], [0], [0, 0, 1, 0], [], []>, transpose_lhs_hint = false} : vector<1000x128xf32>, vector<1024x128xf32>, vector<1000x1024xf32> -> vector<1000x1024xf32>
    %swap3A = arith.constant 0 : index
    %swap3A_6 = arith.constant 0 : index
    %swap3A_7 = vector.load %arg3[%swap3A, %swap3A_6] : memref<1000x1024xf32, #tpu.memory_space<vmem>>, vector<1000x1024xf32>
    tpu.vector_store %arg3[%swap3A, %swap3A_6], %dot_general3A_5 {strides = array<i32>} : memref<1000x1024xf32, #tpu.memory_space<vmem>>, vector<1000x1024xf32>,
    return
  }
  func.func @transform_0(%arg0: i32) -> (i32, i32) {
    %c0_i32 = arith.constant 0 : i32
    %c0_i32_0 = arith.constant 0 : i32
    %c0_i32_1 = arith.constant 0 : i32
    return %c0_i32, %c0_i32_0 : i32, i32
  }
  func.func @transform_1(%arg0: i32) -> (i32, i32) {
    %c0_i32 = arith.constant 0 : i32
    %c0_i32_0 = arith.constant 0 : i32
    return %arg0, %c0_i32 : i32, i32
  }
  func.func @transform_2(%arg0: i32) -> (i32, i32) {
    %add3A = arith.constant 0 : i32
    %add3A_0 = arith.addi %arg0, %add3A : i32
    %c0_i32 = arith.constant 0 : i32
    %c0_i32_1 = arith.constant 0 : i32
    return %c0_i32, %add3A_0 : i32, i32
  }
}

</mosaic_0001>

<sc_bundles>
// kernel: kernel.4.cloned.1.call-start
scs
__scs_entry_jumppad:
0x0: {  	(pc) =	sbr.rel $0x88, $3  }
0x1: {  	(tag) =	ssettag $0x0;
	lr =	simm.s32 $0x1  }
0x2: {  	[smem:$0x3F9C] =	sst lr;
	_ =	strace $0xD0000000  }
0x3: {  	_ = 	snop  }
0x4: {  	_ = 	snop  }
0x5: {  	_ = 	snop  }
0x6: {  	_ = 	snop  }
0x7: {  	_ = 	snop  }
__scs_overlays_trampoline_lowered:
0x8: {  	[smem:$0x3FAB] =	sst s0  }
0x9: {  	[smem:$0x3FAC] =	sst s1  }
0xa: {  	[smem:$0x3FAD] =	sst s2  }
0xb: {  	[smem:$0x3FAE] =	sst s3  }
0xc: {  	[smem:$0x3FAF] =	sst s4  }
0xd: {  	[smem:$0x3FB0] =	sst s5  }
0xe: {  	[smem:$0x3FB1] =	sst s6  }
0xf: {  	[smem:$0x3FB2] =	sst s7  }
0x10: {  	[smem:$0x3FB3] =	sst s8  }
0x11: {  	[smem:$0x3FB4] =	sst s9;
	s0 =	simm.s32 @!p0 $0x0  }
0x12: {  	s1 =	sld [smem:$0x3F9A];
	s0 =	simm.s32 @p0 $0x1  }
0x13: {  	[smem:$0x3FB5] =	sst s0;
	s0 =	simm.s32 @!p1 $0x0  }
0x14: {  	s2 =	sld [smem:$0x3F99];
	s0 =	simm.s32 @p1 $0x1  }
0x15: {  	[smem:$0x3FB6] =	sst s0;
	s0 =	simm.s32 @!p2 $0x0  }
0x16: {  	s3 =	sld [smem:$0x3FDB];
	s0 =	simm.s32 @p2 $0x1  }
0x17: {  	s4 =	simm.s32 $0x1BF5;
	[smem:$0x3FB8] =	sst s0  }
0x18: {  	s0 =	sld [smem:$0x3F9B];
	_ =	swait.ge [sflag:s4], $0x0  }
0x19: {  	s7 =	sld [smem:$0x3F9C]  }
0x1a: {  	s8 =	sadd.s32 $0xFFFFE003, lr  }
0x1b: {  	s9 =	sadd.s32 $0xFFFFFEF7, lr;
	s5 =	simm.s32 $0xFFFFFFFF;
	p2 =	slt.u32 s8, $0xFFFFF086  }
0x1c: {  	p1 =	slt.u32 s9, $0xF7A;
	s5 =	simm.s32 @!p2 $0x0  }
0x1d: {  	s5 =	simm.s32 @p1 $0x1;
	p0 =	seq.s32 s7, s2  }
0x1e: {  	s7 =	smul.u32 @!p0 $0xF7A, s2;
	p2 =	seq.s32 @!p0 s5, $0x0  }
0x1f: {  	s9 =	smul.u32 $0xF7A, s1;
	s8 =	simm.s32 @!p0 $0x1BF5;
	p2 =	por !p2, p0  }
0x20: {  	[sflag:s8] =	ssyncset.s32 @!p0 $0xFFFFF086;
	s6 =	sadd.s32 @!p0 s3, s7;
	s7 =	simm.s32 @!p0 $0x108  }
0x21: {  	s3 =	sadd.s32 s3, s9;
	s6 =	sadd.s32 @!p0 $0x88, s6;
	s7 =	simm.s32 @p2 $0x1082  }
0x22: {  	[simem:s7], [sflag:s8] =	dma.local @!p0 [hbm:s6], $0xF7A  }
0x23: {  	s9 =	sor.u32 $0xD0000000, s2;
	s6 =	simm.s32 $0x108;
	_ =	swait.ge @!p0 [sflag:s8], $0x0  }
0x24: {  	s3 =	sadd.s32 $0x88, s3;
	s6 =	simm.s32 @!p1 $0x1082;
	[sflag:s4] =	ssyncset.s32 $0xFFFFF086  }
0x25: {  	[simem:s6], [sflag:s4] =	dma.local [hbm:s3], $0xF7A  }
0x26: {  	[smem:$0x3F9C] =	sst s1;
	(tag) =	ssettag s2;
	_ =	strace s9  }
0x27: {  	s1 =	sld [smem:$0x3FAC]  }
0x28: {  	s2 =	sld [smem:$0x3FAD]  }
0x29: {  	s4 =	sld [smem:$0x3FAF]  }
0x2a: {  	p0 =	seq.s32 s5, $0x0;
	s5 =	sld [smem:$0x3FB0]  }
0x2b: {  	s6 =	sld [smem:$0x3FB1]  }
0x2c: {  	s7 =	sld [smem:$0x3FB2]  }
0x2d: {  	s3 =	simm.s32 $0x108;
	s8 =	sld [smem:$0x3FB3]  }
0x2e: {  	s3 =	simm.s32 @!p0 $0x1082;
	s9 =	sld [smem:$0x3FB4]  }
0x2f: {  	lr =	sadd.s32 s0, s3;
	s0 =	sld [smem:$0x3FAB]  }
0x30: {  	s3 =	sld [smem:$0x3FAE]  }
0x31: {  	[smem:$0x3FB7] =	sst s10  }
0x32: {  	s10 =	sld [smem:$0x3FB5];
	_ =	sdelay $0x3  }
0x33: {  	p0 =	seq.s32 s10, $0x1;
	s10 =	sld [smem:$0x3FB7];
	_ =	sdelay $0x3  }
0x34: {  	[smem:$0x3FB7] =	sst s10  }
0x35: {  	s10 =	sld [smem:$0x3FB6];
	_ =	sdelay $0x3  }
0x36: {  	p1 =	seq.s32 s10, $0x1;
	s10 =	sld [smem:$0x3FB7];
	_ =	sdelay $0x3  }
0x37: {  	[smem:$0x3FB7] =	sst s10  }
0x38: {  	s10 =	sld [smem:$0x3FB8]  }
0x39: {  	_ = 	snop;
	(pc) =	sbr.ind lr, $3  }
0x3a: {  	_ = 	snop  }
0x3b: {  	_ = 	snop  }
0x3c: {  	p2 =	seq.s32 s10, $0x1;
	s10 =	sld [smem:$0x3FB7]  }
0x3d: {  	_ =	shalt  }
0x3e: {  	_ =	shalt  }
0x3f: {  	_ =	shalt  }
0x40: {  	_ =	shalt  }
0x41: {  	_ =	shalt  }
0x42: {  	_ =	shalt  }
0x43: {  	_ =	shalt  }
0x44: {  	_ =	shalt  }
0x45: {  	_ =	shalt  }
0x46: {  	_ =	shalt  }
0x47: {  	_ =	shalt  }
0x48: {  	_ =	shalt  }
0x49: {  	_ =	shalt  }
0x4a: {  	_ =	shalt  }
0x4b: {  	_ =	shalt  }
0x4c: {  	_ =	shalt  }
0x4d: {  	_ =	shalt  }
0x4e: {  	_ =	shalt  }
0x4f: {  	_ =	shalt  }
0x50: {  	_ =	shalt  }
0x51: {  	_ =	shalt  }
0x52: {  	_ =	shalt  }
0x53: {  	_ =	shalt  }
0x54: {  	_ =	shalt  }
0x55: {  	_ =	shalt  }
0x56: {  	_ =	shalt  }
0x57: {  	_ =	shalt  }
0x58: {  	_ =	shalt  }
0x59: {  	_ =	shalt  }
0x5a: {  	_ =	shalt  }
0x5b: {  	_ =	shalt  }
0x5c: {  	_ =	shalt  }
0x5d: {  	_ =	shalt  }
0x5e: {  	_ =	shalt  }
0x5f: {  	_ =	shalt  }
0x60: {  	_ =	shalt  }
0x61: {  	_ =	shalt  }
0x62: {  	_ =	shalt  }
0x63: {  	_ =	shalt  }
0x64: {  	_ =	shalt  }
0x65: {  	_ =	shalt  }
0x66: {  	_ =	shalt  }
0x67: {  	_ =	shalt  }
0x68: {  	_ =	shalt  }
0x69: {  	_ =	shalt  }
0x6a: {  	_ =	shalt  }
0x6b: {  	_ =	shalt  }
0x6c: {  	_ =	shalt  }
0x6d: {  	_ =	shalt  }
0x6e: {  	_ =	shalt  }
0x6f: {  	_ =	shalt  }
0x70: {  	_ =	shalt  }
0x71: {  	_ =	shalt  }
0x72: {  	_ =	shalt  }
0x73: {  	_ =	shalt  }
0x74: {  	_ =	shalt  }
0x75: {  	_ =	shalt  }
0x76: {  	_ =	shalt  }
0x77: {  	_ =	shalt  }
0x78: {  	_ =	shalt  }
0x79: {  	_ =	shalt  }
0x7a: {  	_ =	shalt  }
0x7b: {  	_ =	shalt  }
0x7c: {  	_ =	shalt  }
0x7d: {  	_ =	shalt  }
0x7e: {  	_ =	shalt  }
0x7f: {  	_ =	shalt  }
0x80: {  	_ =	shalt  }
0x81: {  	_ =	shalt  }
0x82: {  	_ =	shalt  }
0x83: {  	_ =	shalt  }
0x84: {  	_ =	shalt  }
0x85: {  	_ =	shalt  }
0x86: {  	_ =	shalt  }
0x87: {  	_ =	shalt  }
.Lfunc_end0:
.L_simem_size_0:
called_computation_lowered:
.L_overlay_start_0:
0x88: {  	s2 =	sld [smem:$0x3FD9]  }
0x89: {  	s3 =	sld [smem:$0x3FFE];
	_ =	sdelay $0x1  }
0x8a: {  	s1 =	srdreg.scid  }
0x8b: {  	s0 =	sand.u32 $0x1, s1  }
0x8c: {  	s14 =	sshll.u32 s0, $0xA;
	s2 =	sadd.s32 s3, s2  }
0x8d: {  	s2 =	sadd.s32 s2, s14  }
0x8e: {  	[smem:$0x3FC3] =	sst s2  }
0x8f: {  	_ = 	snop  }
0x90: {  	s2 =	sld [smem:$0x3FD0];
	_ =	sdelay $0x1  }
0x91: {  	s15 =	sld [smem:$0x3FC8]  }
0x92: {  	s5 =	simm.s32 $0xA;
	s6 =	simm.s32 $0x10;
	s4 =	sld [smem:$0x3FC7]  }
0x93: {  	[smem:s6], [sflag:s5] =	dma.local [hbm:s2], $0x1  }
0x94: {  	_ =	swait.eq [sflag:s5], $0x1  }
0x95: {  	[sflag:s5] =	ssyncset.done $0x0  }
0x96: {  	[sflag:s5] =	ssyncadd.s32 $0xFFFFFFFF  }
0x97: {  	s16 =	sld [smem:$0x10];
	(tm) =	ssettm $0x1  }
0x98: {  	s17 =	sld [smem:$0x3FFB];
	_ =	sdelay $0x3  }
0x99: {  	_ =	strace s17  }
0x9a: {  	s5 =	sld [smem:$0x3FFC];
	_ =	sdelay $0x3  }
0x9b: {  	_ =	strace s5  }
0x9c: {  	s5 =	sld [smem:$0x3FFD];
	_ =	sdelay $0x3  }
0x9d: {  	_ =	strace s5  }
0x9e: {  	_ =	strace $0x8FFFFFFF  }
0x9f: {  	s18 =	sld [smem:$0x3FDB];
	_ =	sdelay $0x1  }
0xa0: {  	s19 =	simm.s32 $_scs_section_size  }
0xa1: {  	s7 =	simm.s32 $_size__tile_overlayer_lowered;
	s8 =	simm.s32 $_tile_overlayer_lowered  }
0xa2: {  	s22 =	simm.s32 $0x1BFF;
	s21 =	sshll.u32 s8, $0x1;
	s5 =	sadd.s32 s19, s18  }
0xa3: {  	s9 =	simm.s32 $0x0;
	s20 =	sshll.u32 s7, $0x1;
	s7 =	sadd.s32 s21, s5  }
0xa4: {  	[timem:s9], [sflag:s22] =	dma.local [hbm:s7], s20  }
0xa5: {  	_ =	swait.ge [sflag:s22], s20  }
0xa6: {  	s6 =	ssub.s32 $0x0, s20;
	[sflag:s22] =	ssyncset.done $0x0  }
0xa7: {  	[sflag:s22] =	ssyncadd.s32 s6;
	_ =	sdelay $0x1  }
0xa8: {  	s23 =	simm.s32 $0x1B8B  }
0xa9: {  	_ =	swait.ge [sflag:s23], $0x1  }
0xaa: {  	[sflag:s23] =	ssyncset.done $0x0  }
0xab: {  	s25 =	simm.s32 $0x1B8E;
	s24 =	sld [smem:$0x3FFE];
	[sflag:s23] =	ssyncadd.s32 $0xFFFFFFFF  }
0xac: {  	s26 =	simm.s32 $execute0_lowered;
	[smem:$0x3FD2] =	sst s25  }
0xad: {  	s7 =	sshll.u32 s26, $0x1;
	_ =	strace $0x80000046;
	[dreg:$0x1] =	wrdreg $0xFFFFFFFF  }
0xae: {  	s28 =	simm.s32 $_size_execute0_lowered;
	s5 =	sadd.s32 s5, s7;
	[dreg:$0x0] =	wrdreg $0x0  }
0xaf: {  	s7 =	sshll.u32 s28, $0x1;
	[dreg:$0x2] =	wrdreg s5  }
0xb0: {  	[dreg:$0x3] =	wrdreg s7  }
0xb1: {  	[dreg:$0x4] =	wrdreg $0xC0  }
0xb2: {  	_ =	task [dreg:s9], $0x5FFFF  }
0xb3: {  	[dreg:$0x1] =	wrdreg $0xFFFFFFFF  }
0xb4: {  	[dreg:$0x0] =	wrdreg $0x60  }
0xb5: {  	[dreg:$0x2] =	wrdreg s24  }
0xb6: {  	[dreg:$0x3] =	wrdreg s15  }
0xb7: {  	[dreg:$0x4] =	wrdreg s4  }
0xb8: {  	[dreg:$0x5] =	wrdreg s16  }
0xb9: {  	[dreg:$0x6] =	wrdreg $0x9  }
0xba: {  	_ =	task.clear_ibuf [dreg:s9], $0x7FFFF;
	_ =	strace $0x90000046  }
0xbb: {  	s29 =	simm.s32 $0x9;
	_ =	strace $0x80000048  }
0xbc: {  	_ =	swait.ge [sflag:s29], $0x1  }
0xbd: {  	[sflag:s29] =	ssyncadd.s32 $0xFFFFFFFF  }
0xbe: {  	_ =	strace $0x90000048  }
0xbf: {  	_ =	sfence  }
0xc0: {  	s30 =	sld [smem:$0x0];
	_ =	sdelay $0x2  }
0xc1: {  	s31 =	sshll.u32 s1, $0xD;
	s1 =	sshrl.u32 s1, $0x2  }
0xc2: {  	s3 =	sand.u32 $0x4000, s31;
	s1 =	sadd.s32 s1, s30  }
0xc3: {  	s0 =	sor.u32 s3, s0;
	s1 =	sshll.u32 s1, $0x11  }
0xc4: {  	s0 =	sor.u32 s1, s0  }
0xc5: {  	s0 =	sadd.s32 $0x8F2B, s0  }
0xc6: {  	[sflag:s0] =	ssyncadd.remote.s32 $0x1  }
0xc7: {  	_ =	sfence.sel $0xFFFF  }
0xc8: {  	[dreg:$0x0] =	wrdreg $0xFFFFFFFF;
	(pc) =	sbr.abs _section_cstart, $3  }
0xc9: {  	[dreg:$0x1] =	wrdreg $0xFFFFFFFF  }
0xca: {  	_ =	task.clear_ibuf [dreg:s9], $0x2FFFF;
	_ =	strace $0x9FFFFFFF  }
0xcb: {  	(tm) =	ssettm $0x7FFFFFFF  }
tec
execute0_lowered:
.L_overlay_start_1:
0x0: {  	(tag) =	ssettag $0x1  }
0x1: {  	s1 =	rddreg [dreg:$0x0]  }
0x2: {  	s2 =	rddreg [dreg:$0x1]  }
0x3: {  	s0 =	srdreg.scid;
	s4 =	stileid.u32  }
0x4: {  	s3 =	rddreg [dreg:$0x2];
	s0 =	sand.u32 $0x1, s0;
	s4 =	sshll.u32 s4, $0x1  }
0x5: {  	s5 =	rddreg [dreg:$0x3];
	s6 =	sor.u32 s0, s4;
	s4 =	simm.s32 $0x0  }
0x6: {  	s26 =	simm.s32 $0x100;
	[smem:$0x7FF] =	sst s4  }
0x7: {  	s8 =	simm.s32 $0x110;
	_ =	strace $0x80000047;
	[dreg:$0xd] =	wrdreg s26  }
0x8: {  	s9 =	simm.s32 $0x190;
	[dreg:$0x10] =	wrdreg s8  }
0x9: {  	s10 =	simm.s32 $0x4A00;
	[dreg:$0x11] =	wrdreg s9  }
0xa: {  	s11 =	simm.s32 $0x120;
	[dreg:$0x12] =	wrdreg s10  }
0xb: {  	s12 =	simm.s32 $0x1A0;
	[dreg:$0x13] =	wrdreg s11  }
0xc: {  	s13 =	simm.s32 $0x5200;
	[dreg:$0x14] =	wrdreg s12  }
0xd: {  	s14 =	simm.s32 $0x130;
	[dreg:$0x15] =	wrdreg s13  }
0xe: {  	s15 =	simm.s32 $0x1B0;
	[dreg:$0x16] =	wrdreg s14  }
0xf: {  	s16 =	simm.s32 $0x5A00;
	[dreg:$0x17] =	wrdreg s15  }
0x10: {  	s17 =	simm.s32 $0x140;
	s18 =	simm.s32 $0x1C0;
	[dreg:$0x18] =	wrdreg s16  }
0x11: {  	s7 =	sshll.u32 s6, $0x5;
	s6 =	sshll.u32 s6, $0xB;
	[dreg:$0x19] =	wrdreg s17  }
0x12: {  	s6 =	sadd.s32 s5, s6;
	s5 =	simm.s32 $0x180;
	[dreg:$0x1a] =	wrdreg s18  }
0x13: {  	s1 =	sadd.s32 s7, s1;
	s7 =	simm.s32 $0x4200;
	[dreg:$0xe] =	wrdreg s5  }
0x14: {  	s26 =	simm.s32 $0x170;
	[dreg:$0xf] =	wrdreg s7  }
0x15: {  	s8 =	simm.s32 $0x7A00;
	[smem:$0x7FA] =	sst s26  }
0x16: {  	s1 =	sadd.s32 $0x800, s1;
	[smem:$0x7FB] =	sst s8  }
0x17: {  	s19 =	sadd.s32 $0x100, s6;
	[dreg:$0x5] =	wrdreg s1  }
0x18: {  	s20 =	sadd.s32 $0x200, s6;
	[dreg:$0x6] =	wrdreg s19  }
0x19: {  	s21 =	sadd.s32 $0x300, s6;
	[dreg:$0x7] =	wrdreg s20  }
0x1a: {  	s22 =	sadd.s32 $0x400, s6;
	[dreg:$0x8] =	wrdreg s21  }
0x1b: {  	s23 =	sadd.s32 $0x500, s6;
	[dreg:$0x9] =	wrdreg s22  }
0x1c: {  	s24 =	sadd.s32 $0x600, s6;
	[dreg:$0xa] =	wrdreg s23  }
0x1d: {  	s25 =	sadd.s32 $0x700, s6;
	[dreg:$0xb] =	wrdreg s24  }
0x1e: {  	s5 =	simm.s32 $0x1F0;
	[dreg:$0xc] =	wrdreg s25  }
0x1f: {  	s19 =	simm.s32 $0x6200;
	[smem:$0x7FC] =	sst s5  }
0x20: {  	s20 =	simm.s32 $0x150;
	[dreg:$0x1b] =	wrdreg s19  }
0x21: {  	s21 =	simm.s32 $0x1D0;
	[dreg:$0x1c] =	wrdreg s20  }
0x22: {  	s22 =	simm.s32 $0x6A00;
	[dreg:$0x1d] =	wrdreg s21  }
0x23: {  	s23 =	simm.s32 $0x160;
	[dreg:$0x1e] =	wrdreg s22  }
0x24: {  	s24 =	simm.s32 $0x1E0;
	[dreg:$0x1f] =	wrdreg s23  }
0x25: {  	s25 =	simm.s32 $0x7200;
	[smem:$0x7F9] =	sst s24  }
0x26: {  	[smem:$0x7F8] =	sst s25  }
0x27: {  	s9 =	simm.s32 $0x19;
	s7 =	rddreg [dreg:$0x5]  }
0x28: {  	[tilespmem:s4], [sflag:$0x19] =	stream.linear.gather [hbm4b:s7+s4], $0x100, $0x38;
	[tilespmem:$0x8200] =	vst v63  }
0x29: {  	_ =	swait.ge [sflag:s9], $0x100  }
0x2a: {  	[sflag:s9] =	ssyncset.done $0x0  }
0x2b: {  	[sflag:s9] =	ssyncadd.s32 $0xFFFFFF00  }
0x2c: {  	v2 =	vld [tilespmem:$0x0]  }
0x2d: {  	v3 =	vld [tilespmem:$0x10]  }
0x2e: {  	v0 =	vlaneseq.u32  }
0x2f: {  	v0 =	vand.u32 $0x7, v0  }
0x30: {  	v0 =	vmul.u32 $0x2, v0;
	_ =	sdelay $0x1  }
0x31: {  	v1 =	vor.u32 $0x1, v0;
	v4 =	vperm.xlane v2, v0;
	v5 =	vperm.xlane v3, v0  }
0x32: {  	vm0 =	vmmov $0xff;
	v2 =	vperm.xlane v2, v1;
	v3 =	vperm.xlane v3, v1  }
0x33: {  	v4 =	vsel vm0, v4, v5  }
0x34: {  	s10 =	rddreg [dreg:$0xd];
	v2 =	vsel vm0, v2, v3;
	[tilespmem:$0x100] =	vst v4  }
0x35: {  	s7 =	simm.s32 $0x10;
	s11 =	rddreg [dreg:$0xf];
	s9 =	simm.s32 $0x200;
	[tilespmem:$0x180] =	vst v2  }
0x36: {  	[tilespmem:s9], [sflag:$0x1] =	stream.indirect.gather [hbm4b:s2+s7], $0x80, s10, s7, $0xb8;
	[tilespmem:$0x8200] =	vst v63  }
0x37: {  	s8 =	rddreg [dreg:$0xe]  }
0x38: {  	[tilespmem:s11], [sflag:$0x2] =	stream.indirect.gather [hbm4b:s3+s7], $0x80, s8, s7, $0xb8;
	[tilespmem:$0x8200] =	vst v63  }
0x39: {  	v2 =	vld [tilespmem:$0x20]  }
0x3a: {  	v3 =	vld [tilespmem:$0x30];
	_ =	sdelay $0x4  }
0x3b: {  	v50 =	vperm.xlane v2, v0;
	v51 =	vperm.xlane v3, v0  }
0x3c: {  	v2 =	vperm.xlane v2, v1;
	v3 =	vperm.xlane v3, v1  }
0x3d: {  	v4 =	vsel vm0, v50, v51  }
0x3e: {  	s12 =	rddreg [dreg:$0x10];
	v2 =	vsel vm0, v2, v3;
	[tilespmem:$0x110] =	vst v4  }
0x3f: {  	s13 =	rddreg [dreg:$0x12];
	s10 =	simm.s32 $0xA00;
	[tilespmem:$0x190] =	vst v2  }
0x40: {  	[tilespmem:s10], [sflag:$0x3] =	stream.indirect.gather [hbm4b:s2+s7], $0x80, s12, s7, $0xb8;
	[tilespmem:$0x8200] =	vst v63  }
0x41: {  	s14 =	rddreg [dreg:$0x11]  }
0x42: {  	[tilespmem:s13], [sflag:$0x4] =	stream.indirect.gather [hbm4b:s3+s7], $0x80, s14, s7, $0xb8;
	[tilespmem:$0x8200] =	vst v63  }
0x43: {  	v2 =	vld [tilespmem:$0x40]  }
0x44: {  	v3 =	vld [tilespmem:$0x50];
	_ =	sdelay $0x4  }
0x45: {  	v52 =	vperm.xlane v2, v0;
	v53 =	vperm.xlane v3, v0  }
0x46: {  	v2 =	vperm.xlane v2, v1;
	v3 =	vperm.xlane v3, v1  }
0x47: {  	v4 =	vsel vm0, v52, v53  }
0x48: {  	s15 =	rddreg [dreg:$0x13];
	v2 =	vsel vm0, v2, v3;
	[tilespmem:$0x120] =	vst v4  }
0x49: {  	s16 =	rddreg [dreg:$0x15];
	s11 =	simm.s32 $0x1200;
	[tilespmem:$0x1A0] =	vst v2  }
0x4a: {  	[tilespmem:s11], [sflag:$0x5] =	stream.indirect.gather [hbm4b:s2+s7], $0x80, s15, s7, $0xb8;
	[tilespmem:$0x8200] =	vst v63  }
0x4b: {  	s17 =	rddreg [dreg:$0x14]  }
0x4c: {  	[tilespmem:s16], [sflag:$0x6] =	stream.indirect.gather [hbm4b:s3+s7], $0x80, s17, s7, $0xb8;
	[tilespmem:$0x8200] =	vst v63  }
0x4d: {  	v2 =	vld [tilespmem:$0x60]  }
0x4e: {  	v3 =	vld [tilespmem:$0x70];
	_ =	sdelay $0x4  }
0x4f: {  	v54 =	vperm.xlane v2, v0;
	v55 =	vperm.xlane v3, v0  }
0x50: {  	v2 =	vperm.xlane v2, v1;
	v3 =	vperm.xlane v3, v1  }
0x51: {  	v4 =	vsel vm0, v54, v55  }
0x52: {  	s18 =	rddreg [dreg:$0x16];
	v2 =	vsel vm0, v2, v3;
	[tilespmem:$0x130] =	vst v4  }
0x53: {  	s19 =	rddreg [dreg:$0x18];
	s12 =	simm.s32 $0x1A00;
	[tilespmem:$0x1B0] =	vst v2  }
0x54: {  	[tilespmem:s12], [sflag:$0x7] =	stream.indirect.gather [hbm4b:s2+s7], $0x80, s18, s7, $0xb8;
	[tilespmem:$0x8200] =	vst v63  }
0x55: {  	s20 =	rddreg [dreg:$0x17]  }
0x56: {  	[tilespmem:s19], [sflag:$0x8] =	stream.indirect.gather [hbm4b:s3+s7], $0x80, s20, s7, $0xb8;
	[tilespmem:$0x8200] =	vst v63  }
0x57: {  	v2 =	vld [tilespmem:$0x80]  }
0x58: {  	v3 =	vld [tilespmem:$0x90];
	_ =	sdelay $0x4  }
0x59: {  	v56 =	vperm.xlane v2, v0;
	v57 =	vperm.xlane v3, v0  }
0x5a: {  	v2 =	vperm.xlane v2, v1;
	v3 =	vperm.xlane v3, v1  }
0x5b: {  	v4 =	vsel vm0, v56, v57  }
0x5c: {  	s21 =	rddreg [dreg:$0x19];
	v2 =	vsel vm0, v2, v3;
	[tilespmem:$0x140] =	vst v4  }
0x5d: {  	s22 =	rddreg [dreg:$0x1b];
	s13 =	simm.s32 $0x2200;
	[tilespmem:$0x1C0] =	vst v2  }
0x5e: {  	[tilespmem:s13], [sflag:$0x9] =	stream.indirect.gather [hbm4b:s2+s7], $0x80, s21, s7, $0xb8;
	[tilespmem:$0x8200] =	vst v63  }
0x5f: {  	s23 =	rddreg [dreg:$0x1a]  }
0x60: {  	[tilespmem:s22], [sflag:$0xA] =	stream.indirect.gather [hbm4b:s3+s7], $0x80, s23, s7, $0xb8;
	[tilespmem:$0x8200] =	vst v63  }
0x61: {  	v2 =	vld [tilespmem:$0xA0]  }
0x62: {  	v3 =	vld [tilespmem:$0xB0];
	_ =	sdelay $0x4  }
0x63: {  	v58 =	vperm.xlane v2, v0;
	v59 =	vperm.xlane v3, v0  }
0x64: {  	v2 =	vperm.xlane v2, v1;
	v3 =	vperm.xlane v3, v1  }
0x65: {  	v4 =	vsel vm0, v58, v59  }
0x66: {  	s24 =	rddreg [dreg:$0x1c];
	v2 =	vsel vm0, v2, v3;
	[tilespmem:$0x150] =	vst v4  }
0x67: {  	s25 =	rddreg [dreg:$0x1e];
	s14 =	simm.s32 $0x2A00;
	[tilespmem:$0x1D0] =	vst v2  }
0x68: {  	[tilespmem:s14], [sflag:$0xB] =	stream.indirect.gather [hbm4b:s2+s7], $0x80, s24, s7, $0xb8;
	[tilespmem:$0x8200] =	vst v63  }
0x69: {  	s26 =	rddreg [dreg:$0x1d]  }
0x6a: {  	[tilespmem:s25], [sflag:$0xC] =	stream.indirect.gather [hbm4b:s3+s7], $0x80, s26, s7, $0xb8;
	[tilespmem:$0x8200] =	vst v63  }
0x6b: {  	v2 =	vld [tilespmem:$0xC0]  }
0x6c: {  	v3 =	vld [tilespmem:$0xD0];
	_ =	sdelay $0x4  }
0x6d: {  	v60 =	vperm.xlane v2, v0;
	v61 =	vperm.xlane v3, v0  }
0x6e: {  	v2 =	vperm.xlane v2, v1;
	v3 =	vperm.xlane v3, v1  }
0x6f: {  	s8 =	rddreg [dreg:$0x1f];
	v4 =	vsel vm0, v60, v61  }
0x70: {  	s16 =	sld [smem:$0x7F8];
	v2 =	vsel vm0, v2, v3;
	[tilespmem:$0x160] =	vst v4  }
0x71: {  	s15 =	simm.s32 $0x3200;
	s17 =	sld [smem:$0x7F9];
	[tilespmem:$0x1E0] =	vst v2  }
0x72: {  	[tilespmem:s15], [sflag:$0xD] =	stream.indirect.gather [hbm4b:s2+s7], $0x80, s8, s7, $0xb8;
	[tilespmem:$0x8200] =	vst v63  }
0x73: {  	_ = 	snop  }
0x74: {  	[tilespmem:s16], [sflag:$0xE] =	stream.indirect.gather [hbm4b:s3+s7], $0x80, s17, s7, $0xb8;
	[tilespmem:$0x8200] =	vst v63  }
0x75: {  	v2 =	vld [tilespmem:$0xE0]  }
0x76: {  	v3 =	vld [tilespmem:$0xF0];
	_ =	sdelay $0x4  }
0x77: {  	v62 =	vperm.xlane v2, v0;
	v63 =	vperm.xlane v3, v0  }
0x78: {  	v2 =	vperm.xlane v2, v1;
	v3 =	vperm.xlane v3, v1  }
0x79: {  	s18 =	sld [smem:$0x7FA];
	v4 =	vsel vm0, v62, v63  }
0x7a: {  	s19 =	sld [smem:$0x7FB];
	v2 =	vsel vm0, v2, v3;
	[tilespmem:$0x170] =	vst v4  }
0x7b: {  	s20 =	sld [smem:$0x7FC];
	s16 =	simm.s32 $0x3A00;
	[tilespmem:$0x1F0] =	vst v2  }
0x7c: {  	[tilespmem:s16], [sflag:$0xF] =	stream.indirect.gather [hbm4b:s2+s7], $0x80, s18, s7, $0xb8;
	[tilespmem:$0x8200] =	vst v63  }
0x7d: {  	s21 =	simm.s32 $0x1  }
0x7e: {  	[tilespmem:s19], [sflag:$0x10] =	stream.indirect.gather [hbm4b:s3+s7], $0x80, s20, s7, $0xb8;
	[tilespmem:$0x8200] =	vst v63  }
0x7f: {  	_ =	swait.ge [sflag:s21], $0x800  }
0x80: {  	[sflag:s21] =	ssyncset.done $0x0  }
0x81: {  	s22 =	simm.s32 $0x2;
	[sflag:s21] =	ssyncadd.s32 $0xFFFFF800  }
0x82: {  	_ =	swait.ge [sflag:s22], $0x800  }
0x83: {  	[sflag:s22] =	ssyncset.done $0x0  }
0x84: {  	s23 =	simm.s32 $0x3;
	[smem:$0x7FD] =	sst s6;
	[sflag:s22] =	ssyncadd.s32 $0xFFFFF800  }
0x85: {  	[hbm4b:s6+s4] =	stream.linear.scatter [tilespmem:s9], [sflag:$0x11], $0x800, $0x38;
	[tilespmem:$0x8200] =	vst v63  }
0x86: {  	_ =	swait.ge [sflag:s23], $0x800  }
0x87: {  	[sflag:s23] =	ssyncset.done $0x0  }
0x88: {  	s24 =	simm.s32 $0x4;
	[sflag:s23] =	ssyncadd.s32 $0xFFFFF800  }
0x89: {  	_ =	swait.ge [sflag:s24], $0x800  }
0x8a: {  	[sflag:s24] =	ssyncset.done $0x0  }
0x8b: {  	s26 =	simm.s32 $0x5;
	s25 =	rddreg [dreg:$0x6];
	[sflag:s24] =	ssyncadd.s32 $0xFFFFF800  }
0x8c: {  	[hbm4b:s25+s4] =	stream.linear.scatter [tilespmem:s10], [sflag:$0x12], $0x800, $0x38;
	[tilespmem:$0x8200] =	vst v63  }
0x8d: {  	_ =	swait.ge [sflag:s26], $0x800  }
0x8e: {  	[sflag:s26] =	ssyncset.done $0x0  }
0x8f: {  	s8 =	simm.s32 $0x6;
	[sflag:s26] =	ssyncadd.s32 $0xFFFFF800  }
0x90: {  	_ =	swait.ge [sflag:s8], $0x800  }
0x91: {  	[sflag:s8] =	ssyncset.done $0x0  }
0x92: {  	s10 =	simm.s32 $0x7;
	s9 =	rddreg [dreg:$0x7];
	[sflag:s8] =	ssyncadd.s32 $0xFFFFF800  }
0x93: {  	[hbm4b:s9+s4] =	stream.linear.scatter [tilespmem:s11], [sflag:$0x13], $0x800, $0x38;
	[tilespmem:$0x8200] =	vst v63  }
0x94: {  	_ =	swait.ge [sflag:s10], $0x800  }
0x95: {  	[sflag:s10] =	ssyncset.done $0x0  }
0x96: {  	s17 =	simm.s32 $0x8;
	[sflag:s10] =	ssyncadd.s32 $0xFFFFF800  }
0x97: {  	_ =	swait.ge [sflag:s17], $0x800  }
0x98: {  	[sflag:s17] =	ssyncset.done $0x0  }
0x99: {  	s19 =	simm.s32 $0x9;
	s18 =	rddreg [dreg:$0x8];
	[sflag:s17] =	ssyncadd.s32 $0xFFFFF800  }
0x9a: {  	[hbm4b:s18+s4] =	stream.linear.scatter [tilespmem:s12], [sflag:$0x14], $0x800, $0x38;
	[tilespmem:$0x8200] =	vst v63  }
0x9b: {  	_ =	swait.ge [sflag:s19], $0x800  }
0x9c: {  	[sflag:s19] =	ssyncset.done $0x0  }
0x9d: {  	s20 =	simm.s32 $0xA;
	[sflag:s19] =	ssyncadd.s32 $0xFFFFF800  }
0x9e: {  	_ =	swait.ge [sflag:s20], $0x800  }
0x9f: {  	[sflag:s20] =	ssyncset.done $0x0  }
0xa0: {  	s26 =	simm.s32 $0xB;
	s21 =	rddreg [dreg:$0x9];
	[sflag:s20] =	ssyncadd.s32 $0xFFFFF800  }
0xa1: {  	[hbm4b:s21+s4] =	stream.linear.scatter [tilespmem:s13], [sflag:$0x15], $0x800, $0x38;
	[tilespmem:$0x8200] =	vst v63  }
0xa2: {  	_ =	swait.ge [sflag:s26], $0x800  }
0xa3: {  	[sflag:s26] =	ssyncset.done $0x0  }
0xa4: {  	s28 =	simm.s32 $0xC;
	[sflag:s26] =	ssyncadd.s32 $0xFFFFF800  }
0xa5: {  	_ =	swait.ge [sflag:s28], $0x800  }
0xa6: {  	[sflag:s28] =	ssyncset.done $0x0  }
0xa7: {  	s29 =	simm.s32 $0xD;
	s22 =	rddreg [dreg:$0xa];
	[sflag:s28] =	ssyncadd.s32 $0xFFFFF800  }
0xa8: {  	[hbm4b:s22+s4] =	stream.linear.scatter [tilespmem:s14], [sflag:$0x16], $0x800, $0x38;
	[tilespmem:$0x8200] =	vst v63  }
0xa9: {  	_ =	swait.ge [sflag:s29], $0x800  }
0xaa: {  	[sflag:s29] =	ssyncset.done $0x0  }
0xab: {  	s30 =	simm.s32 $0xE;
	[sflag:s29] =	ssyncadd.s32 $0xFFFFF800  }
0xac: {  	_ =	swait.ge [sflag:s30], $0x800  }
0xad: {  	[sflag:s30] =	ssyncset.done $0x0  }
0xae: {  	s31 =	simm.s32 $0xF;
	s23 =	rddreg [dreg:$0xb];
	[sflag:s30] =	ssyncadd.s32 $0xFFFFF800  }
0xaf: {  	[hbm4b:s23+s4] =	stream.linear.scatter [tilespmem:s15], [sflag:$0x17], $0x800, $0x38;
	[tilespmem:$0x8200] =	vst v63  }
0xb0: {  	_ =	swait.ge [sflag:s31], $0x800  }
0xb1: {  	[sflag:s31] =	ssyncset.done $0x0  }
0xb2: {  	[sflag:s31] =	ssyncadd.s32 $0xFFFFF800  }
0xb3: {  	s0 =	ssub.s32 $0x2, s0;
	_ =	swait.ge [sflag:s7], $0x800  }
0xb4: {  	s1 =	simm.s32 $0x11;
	s25 =	sshrl.u32 s0, $0x1;
	[sflag:s7] =	ssyncset.done $0x0  }
0xb5: {  	s0 =	ssub.s32 s0, s25;
	s24 =	rddreg [dreg:$0xc];
	[sflag:s7] =	ssyncadd.s32 $0xFFFFF800  }
0xb6: {  	[hbm4b:s24+s4] =	stream.linear.scatter [tilespmem:s16], [sflag:$0x18], $0x800, $0x38;
	[tilespmem:$0x8200] =	vst v63  }
0xb7: {  	s0 =	smax.u32 s0, $0x1;
	_ =	swait.ge [sflag:s1], $0x800  }
0xb8: {  	p0 =	sne.s32 s0, $0x1;
	[sflag:s1] =	ssyncset.done $0x0  }
.Ltmp0:
0xb9: {  	s9 =	simm.s32 $0x12;
	[sflag:s1] =	ssyncadd.s32 $0xFFFFF800;
	(pc) =	sbr.rel @!p0 .LBB2_3-.Ltmp0, $4  }
0xba: {  	s5 =	simm.s32 $0x17;
	_ =	swait.ge [sflag:s9], $0x800  }
0xbb: {  	s8 =	simm.s32 $0x16;
	s11 =	simm.s32 $0x14;
	[sflag:s9] =	ssyncset.done $0x0  }
0xbc: {  	s10 =	simm.s32 $0x15;
	s12 =	simm.s32 $0x13;
	[sflag:s9] =	ssyncadd.s32 $0xFFFFF800  }
0xbd: {  	s13 =	sadd.s32 $0xFFFFFFFF, s0;
	s0 =	simm.s32 $0x18;
	_ =	swait.ge [sflag:s12], $0x800  }
0xbe: {  	s19 =	simm.s32 $0x200  }
0xbf: {  	s20 =	simm.s32 $0xA00;
	s21 =	simm.s32 $0x1200;
	s22 =	simm.s32 $0x1A00  }
0xc0: {  	s23 =	simm.s32 $0x2200;
	s24 =	simm.s32 $0x2A00;
	s25 =	simm.s32 $0x3200  }
.LBB2_2:
0xc1: {  	[sflag:s12] =	ssyncset.done $0x0  }
0xc2: {  	[sflag:s12] =	ssyncadd.s32 $0xFFFFF800  }
0xc3: {  	_ =	swait.ge [sflag:s11], $0x800  }
0xc4: {  	[sflag:s11] =	ssyncset.done $0x0  }
0xc5: {  	[sflag:s11] =	ssyncadd.s32 $0xFFFFF800  }
0xc6: {  	_ =	swait.ge [sflag:s10], $0x800  }
0xc7: {  	[sflag:s10] =	ssyncset.done $0x0  }
0xc8: {  	[sflag:s10] =	ssyncadd.s32 $0xFFFFF800  }
0xc9: {  	_ =	swait.ge [sflag:s8], $0x800  }
0xca: {  	[sflag:s8] =	ssyncset.done $0x0  }
0xcb: {  	[sflag:s8] =	ssyncadd.s32 $0xFFFFF800  }
0xcc: {  	_ =	swait.ge [sflag:s5], $0x800  }
0xcd: {  	[sflag:s5] =	ssyncset.done $0x0  }
0xce: {  	[sflag:s5] =	ssyncadd.s32 $0xFFFFF800  }
0xcf: {  	_ =	swait.ge [sflag:s0], $0x800  }
0xd0: {  	[sflag:s0] =	ssyncset.done $0x0  }
0xd1: {  	s6 =	simm.s32 $0x19;
	s14 =	rddreg [dreg:$0x5];
	[sflag:s0] =	ssyncadd.s32 $0xFFFFF800  }
0xd2: {  	[tilespmem:s4], [sflag:$0x19] =	stream.linear.gather [hbm4b:s14+s4], $0x100, $0x38;
	[tilespmem:$0x8200] =	vst v63  }
0xd3: {  	_ =	swait.ge [sflag:s6], $0x100  }
0xd4: {  	[sflag:s6] =	ssyncset.done $0x0  }
0xd5: {  	[sflag:s6] =	ssyncadd.s32 $0xFFFFFF00  }
0xd6: {  	v2 =	vld [tilespmem:$0x0]  }
0xd7: {  	v3 =	vld [tilespmem:$0x10];
	_ =	sdelay $0x4  }
0xd8: {  	v4 =	vperm.xlane v2, v0;
	v5 =	vperm.xlane v3, v0  }
0xd9: {  	v2 =	vperm.xlane v2, v1;
	v3 =	vperm.xlane v3, v1  }
0xda: {  	v4 =	vsel vm0, v4, v5  }
0xdb: {  	s17 =	rddreg [dreg:$0xd];
	v2 =	vsel vm0, v2, v3;
	[tilespmem:$0x100] =	vst v4  }
0xdc: {  	s15 =	rddreg [dreg:$0xf];
	[tilespmem:$0x180] =	vst v2  }
0xdd: {  	[tilespmem:s19], [sflag:$0x1] =	stream.indirect.gather [hbm4b:s2+s7], $0x80, s17, s7, $0xb8;
	[tilespmem:$0x8200] =	vst v63  }
0xde: {  	s18 =	rddreg [dreg:$0xe]  }
0xdf: {  	[tilespmem:s15], [sflag:$0x2] =	stream.indirect.gather [hbm4b:s3+s7], $0x80, s18, s7, $0xb8;
	[tilespmem:$0x8200] =	vst v63  }
0xe0: {  	v2 =	vld [tilespmem:$0x20]  }
0xe1: {  	v3 =	vld [tilespmem:$0x30];
	_ =	sdelay $0x4  }
0xe2: {  	v50 =	vperm.xlane v2, v0;
	v51 =	vperm.xlane v3, v0  }
0xe3: {  	v2 =	vperm.xlane v2, v1;
	v3 =	vperm.xlane v3, v1  }
0xe4: {  	v4 =	vsel vm0, v50, v51  }
0xe5: {  	s16 =	rddreg [dreg:$0x10];
	v2 =	vsel vm0, v2, v3;
	[tilespmem:$0x110] =	vst v4  }
0xe6: {  	s17 =	rddreg [dreg:$0x12];
	[tilespmem:$0x190] =	vst v2  }
0xe7: {  	[tilespmem:s20], [sflag:$0x3] =	stream.indirect.gather [hbm4b:s2+s7], $0x80, s16, s7, $0xb8;
	[tilespmem:$0x8200] =	vst v63  }
0xe8: {  	s18 =	rddreg [dreg:$0x11]  }
0xe9: {  	[tilespmem:s17], [sflag:$0x4] =	stream.indirect.gather [hbm4b:s3+s7], $0x80, s18, s7, $0xb8;
	[tilespmem:$0x8200] =	vst v63  }
0xea: {  	v2 =	vld [tilespmem:$0x40]  }
0xeb: {  	v3 =	vld [tilespmem:$0x50];
	_ =	sdelay $0x4  }
0xec: {  	v52 =	vperm.xlane v2, v0;
	v53 =	vperm.xlane v3, v0  }
0xed: {  	v2 =	vperm.xlane v2, v1;
	v3 =	vperm.xlane v3, v1  }
0xee: {  	v4 =	vsel vm0, v52, v53  }
0xef: {  	s16 =	rddreg [dreg:$0x13];
	v2 =	vsel vm0, v2, v3;
	[tilespmem:$0x120] =	vst v4  }
0xf0: {  	s17 =	rddreg [dreg:$0x15];
	[tilespmem:$0x1A0] =	vst v2  }
0xf1: {  	[tilespmem:s21], [sflag:$0x5] =	stream.indirect.gather [hbm4b:s2+s7], $0x80, s16, s7, $0xb8;
	[tilespmem:$0x8200] =	vst v63  }
0xf2: {  	s18 =	rddreg [dreg:$0x14]  }
0xf3: {  	[tilespmem:s17], [sflag:$0x6] =	stream.indirect.gather [hbm4b:s3+s7], $0x80, s18, s7, $0xb8;
	[tilespmem:$0x8200] =	vst v63  }
0xf4: {  	v2 =	vld [tilespmem:$0x60]  }
0xf5: {  	v3 =	vld [tilespmem:$0x70];
	_ =	sdelay $0x4  }
0xf6: {  	v54 =	vperm.xlane v2, v0;
	v55 =	vperm.xlane v3, v0  }
0xf7: {  	v2 =	vperm.xlane v2, v1;
	v3 =	vperm.xlane v3, v1  }
0xf8: {  	v4 =	vsel vm0, v54, v55  }
0xf9: {  	s14 =	rddreg [dreg:$0x16];
	v2 =	vsel vm0, v2, v3;
	[tilespmem:$0x130] =	vst v4  }
0xfa: {  	s15 =	rddreg [dreg:$0x18];
	[tilespmem:$0x1B0] =	vst v2  }
0xfb: {  	[tilespmem:s22], [sflag:$0x7] =	stream.indirect.gather [hbm4b:s2+s7], $0x80, s14, s7, $0xb8;
	[tilespmem:$0x8200] =	vst v63  }
0xfc: {  	s17 =	rddreg [dreg:$0x17]  }
0xfd: {  	[tilespmem:s15], [sflag:$0x8] =	stream.indirect.gather [hbm4b:s3+s7], $0x80, s17, s7, $0xb8;
	[tilespmem:$0x8200] =	vst v63  }
0xfe: {  	v2 =	vld [tilespmem:$0x80]  }
0xff: {  	v3 =	vld [tilespmem:$0x90];
	_ =	sdelay $0x4  }
0x100: {  	v56 =	vperm.xlane v2, v0;
	v57 =	vperm.xlane v3, v0  }
0x101: {  	v2 =	vperm.xlane v2, v1;
	v3 =	vperm.xlane v3, v1  }
0x102: {  	v4 =	vsel vm0, v56, v57  }
0x103: {  	s6 =	rddreg [dreg:$0x19];
	v2 =	vsel vm0, v2, v3;
	[tilespmem:$0x140] =	vst v4  }
0x104: {  	s16 =	rddreg [dreg:$0x1b];
	[tilespmem:$0x1C0] =	vst v2  }
0x105: {  	[tilespmem:s23], [sflag:$0x9] =	stream.indirect.gather [hbm4b:s2+s7], $0x80, s6, s7, $0xb8;
	[tilespmem:$0x8200] =	vst v63  }
0x106: {  	s18 =	rddreg [dreg:$0x1a]  }
0x107: {  	[tilespmem:s16], [sflag:$0xA] =	stream.indirect.gather [hbm4b:s3+s7], $0x80, s18, s7, $0xb8;
	[tilespmem:$0x8200] =	vst v63  }
0x108: {  	v2 =	vld [tilespmem:$0xA0]  }
0x109: {  	v3 =	vld [tilespmem:$0xB0];
	_ =	sdelay $0x4  }
0x10a: {  	v58 =	vperm.xlane v2, v0;
	v59 =	vperm.xlane v3, v0  }
0x10b: {  	v2 =	vperm.xlane v2, v1;
	v3 =	vperm.xlane v3, v1  }
0x10c: {  	v4 =	vsel vm0, v58, v59  }
0x10d: {  	s15 =	rddreg [dreg:$0x1e];
	v2 =	vsel vm0, v2, v3;
	[tilespmem:$0x150] =	vst v4  }
0x10e: {  	s17 =	rddreg [dreg:$0x1c];
	[tilespmem:$0x1D0] =	vst v2  }
0x10f: {  	[tilespmem:s24], [sflag:$0xB] =	stream.indirect.gather [hbm4b:s2+s7], $0x80, s17, s7, $0xb8;
	[tilespmem:$0x8200] =	vst v63  }
0x110: {  	s6 =	rddreg [dreg:$0x1d]  }
0x111: {  	[tilespmem:s15], [sflag:$0xC] =	stream.indirect.gather [hbm4b:s3+s7], $0x80, s6, s7, $0xb8;
	[tilespmem:$0x8200] =	vst v63  }
0x112: {  	v2 =	vld [tilespmem:$0xC0]  }
0x113: {  	v3 =	vld [tilespmem:$0xD0];
	_ =	sdelay $0x4  }
0x114: {  	v60 =	vperm.xlane v2, v0;
	v61 =	vperm.xlane v3, v0  }
0x115: {  	v2 =	vperm.xlane v2, v1;
	v3 =	vperm.xlane v3, v1  }
0x116: {  	s14 =	rddreg [dreg:$0x1f];
	v4 =	vsel vm0, v60, v61  }
0x117: {  	s16 =	sld [smem:$0x7F8];
	v2 =	vsel vm0, v2, v3;
	[tilespmem:$0x160] =	vst v4  }
0x118: {  	s18 =	sld [smem:$0x7F9];
	[tilespmem:$0x1E0] =	vst v2  }
0x119: {  	[tilespmem:s25], [sflag:$0xD] =	stream.indirect.gather [hbm4b:s2+s7], $0x80, s14, s7, $0xb8;
	[tilespmem:$0x8200] =	vst v63  }
0x11a: {  	_ = 	snop  }
0x11b: {  	[tilespmem:s16], [sflag:$0xE] =	stream.indirect.gather [hbm4b:s3+s7], $0x80, s18, s7, $0xb8;
	[tilespmem:$0x8200] =	vst v63  }
0x11c: {  	v2 =	vld [tilespmem:$0xE0]  }
0x11d: {  	v3 =	vld [tilespmem:$0xF0];
	_ =	sdelay $0x4  }
0x11e: {  	v62 =	vperm.xlane v2, v0;
	v63 =	vperm.xlane v3, v0  }
0x11f: {  	v2 =	vperm.xlane v2, v1;
	v3 =	vperm.xlane v3, v1  }
0x120: {  	s6 =	sld [smem:$0x7FA];
	v4 =	vsel vm0, v62, v63  }
0x121: {  	s17 =	sld [smem:$0x7FC];
	v2 =	vsel vm0, v2, v3;
	[tilespmem:$0x170] =	vst v4  }
0x122: {  	s15 =	sld [smem:$0x7FB];
	s14 =	simm.s32 $0x3A00;
	[tilespmem:$0x1F0] =	vst v2  }
0x123: {  	[tilespmem:s14], [sflag:$0xF] =	stream.indirect.gather [hbm4b:s2+s7], $0x80, s6, s7, $0xb8;
	[tilespmem:$0x8200] =	vst v63  }
0x124: {  	_ = 	snop  }
0x125: {  	[tilespmem:s15], [sflag:$0x10] =	stream.indirect.gather [hbm4b:s3+s7], $0x80, s17, s7, $0xb8;
	[tilespmem:$0x8200] =	vst v63  }
0x126: {  	s17 =	simm.s32 $0x1  }
0x127: {  	_ =	swait.ge [sflag:s17], $0x800  }
0x128: {  	[sflag:s17] =	ssyncset.done $0x0  }
0x129: {  	s18 =	simm.s32 $0x2;
	[sflag:s17] =	ssyncadd.s32 $0xFFFFF800  }
0x12a: {  	_ =	swait.ge [sflag:s18], $0x800  }
0x12b: {  	s15 =	sld [smem:$0x7FD]  }
0x12c: {  	[sflag:s18] =	ssyncset.done $0x0  }
0x12d: {  	s16 =	simm.s32 $0x3;
	[sflag:s18] =	ssyncadd.s32 $0xFFFFF800  }
0x12e: {  	[hbm4b:s15+s4] =	stream.linear.scatter [tilespmem:s19], [sflag:$0x11], $0x800, $0x38;
	[tilespmem:$0x8200] =	vst v63  }
0x12f: {  	_ =	swait.ge [sflag:s16], $0x800  }
0x130: {  	[sflag:s16] =	ssyncset.done $0x0  }
0x131: {  	s17 =	simm.s32 $0x4;
	[sflag:s16] =	ssyncadd.s32 $0xFFFFF800  }
0x132: {  	_ =	swait.ge [sflag:s17], $0x800  }
0x133: {  	[sflag:s17] =	ssyncset.done $0x0  }
0x134: {  	s16 =	simm.s32 $0x5;
	s18 =	rddreg [dreg:$0x6];
	[sflag:s17] =	ssyncadd.s32 $0xFFFFF800  }
0x135: {  	[hbm4b:s18+s4] =	stream.linear.scatter [tilespmem:s20], [sflag:$0x12], $0x800, $0x38;
	[tilespmem:$0x8200] =	vst v63  }
0x136: {  	_ =	swait.ge [sflag:s16], $0x800  }
0x137: {  	[sflag:s16] =	ssyncset.done $0x0  }
0x138: {  	s17 =	simm.s32 $0x6;
	[sflag:s16] =	ssyncadd.s32 $0xFFFFF800  }
0x139: {  	_ =	swait.ge [sflag:s17], $0x800  }
0x13a: {  	[sflag:s17] =	ssyncset.done $0x0  }
0x13b: {  	s16 =	simm.s32 $0x7;
	s18 =	rddreg [dreg:$0x7];
	[sflag:s17] =	ssyncadd.s32 $0xFFFFF800  }
0x13c: {  	[hbm4b:s18+s4] =	stream.linear.scatter [tilespmem:s21], [sflag:$0x13], $0x800, $0x38;
	[tilespmem:$0x8200] =	vst v63  }
0x13d: {  	_ =	swait.ge [sflag:s16], $0x800  }
0x13e: {  	[sflag:s16] =	ssyncset.done $0x0  }
0x13f: {  	s17 =	simm.s32 $0x8;
	[sflag:s16] =	ssyncadd.s32 $0xFFFFF800  }
0x140: {  	_ =	swait.ge [sflag:s17], $0x800  }
0x141: {  	[sflag:s17] =	ssyncset.done $0x0  }
0x142: {  	s16 =	simm.s32 $0x9;
	s18 =	rddreg [dreg:$0x8];
	[sflag:s17] =	ssyncadd.s32 $0xFFFFF800  }
0x143: {  	[hbm4b:s18+s4] =	stream.linear.scatter [tilespmem:s22], [sflag:$0x14], $0x800, $0x38;
	[tilespmem:$0x8200] =	vst v63  }
0x144: {  	_ =	swait.ge [sflag:s16], $0x800  }
0x145: {  	[sflag:s16] =	ssyncset.done $0x0  }
0x146: {  	s17 =	simm.s32 $0xA;
	[sflag:s16] =	ssyncadd.s32 $0xFFFFF800  }
0x147: {  	_ =	swait.ge [sflag:s17], $0x800  }
0x148: {  	[sflag:s17] =	ssyncset.done $0x0  }
0x149: {  	s18 =	rddreg [dreg:$0x9];
	[sflag:s17] =	ssyncadd.s32 $0xFFFFF800  }
0x14a: {  	[hbm4b:s18+s4] =	stream.linear.scatter [tilespmem:s23], [sflag:$0x15], $0x800, $0x38;
	[tilespmem:$0x8200] =	vst v63  }
0x14b: {  	_ =	swait.ge [sflag:s26], $0x800  }
0x14c: {  	[sflag:s26] =	ssyncset.done $0x0  }
0x14d: {  	[sflag:s26] =	ssyncadd.s32 $0xFFFFF800  }
0x14e: {  	_ =	swait.ge [sflag:s28], $0x800  }
0x14f: {  	[sflag:s28] =	ssyncset.done $0x0  }
0x150: {  	s16 =	rddreg [dreg:$0xa];
	[sflag:s28] =	ssyncadd.s32 $0xFFFFF800  }
0x151: {  	[hbm4b:s16+s4] =	stream.linear.scatter [tilespmem:s24], [sflag:$0x16], $0x800, $0x38;
	[tilespmem:$0x8200] =	vst v63  }
0x152: {  	_ =	swait.ge [sflag:s29], $0x800  }
0x153: {  	[sflag:s29] =	ssyncset.done $0x0  }
0x154: {  	[sflag:s29] =	ssyncadd.s32 $0xFFFFF800  }
0x155: {  	_ =	swait.ge [sflag:s30], $0x800  }
0x156: {  	[sflag:s30] =	ssyncset.done $0x0  }
0x157: {  	s17 =	rddreg [dreg:$0xb];
	[sflag:s30] =	ssyncadd.s32 $0xFFFFF800  }
0x158: {  	[hbm4b:s17+s4] =	stream.linear.scatter [tilespmem:s25], [sflag:$0x17], $0x800, $0x38;
	[tilespmem:$0x8200] =	vst v63  }
0x159: {  	_ =	swait.ge [sflag:s31], $0x800  }
0x15a: {  	[sflag:s31] =	ssyncset.done $0x0  }
0x15b: {  	[sflag:s31] =	ssyncadd.s32 $0xFFFFF800  }
0x15c: {  	_ =	swait.ge [sflag:s7], $0x800  }
0x15d: {  	[sflag:s7] =	ssyncset.done $0x0  }
0x15e: {  	s18 =	rddreg [dreg:$0xc];
	[sflag:s7] =	ssyncadd.s32 $0xFFFFF800  }
0x15f: {  	[hbm4b:s18+s4] =	stream.linear.scatter [tilespmem:s14], [sflag:$0x18], $0x800, $0x38;
	[tilespmem:$0x8200] =	vst v63  }
0x160: {  	_ =	swait.ge [sflag:s1], $0x800  }
0x161: {  	p0 =	sne.s32 s13, $0x1;
	[sflag:s1] =	ssyncset.done $0x0  }
.Ltmp1:
0x162: {  	[sflag:s1] =	ssyncadd.s32 $0xFFFFF800;
	(pc) =	sbr.rel @p0 .LBB2_2-.Ltmp1, $4  }
0x163: {  	_ =	swait.ge [sflag:s9], $0x800  }
0x164: {  	[sflag:s9] =	ssyncset.done $0x0  }
0x165: {  	[sflag:s9] =	ssyncadd.s32 $0xFFFFF800  }
0x166: {  	s13 =	sadd.s32 $0xFFFFFFFF, s13;
	_ =	swait.ge [sflag:s12], $0x800  }
.LBB2_3:
0x167: {  	[sflag:s12] =	ssyncset.done $0x0  }
0x168: {  	[sflag:s12] =	ssyncadd.s32 $0xFFFFF800  }
0x169: {  	_ =	swait.ge [sflag:s11], $0x800  }
0x16a: {  	[sflag:s11] =	ssyncset.done $0x0  }
0x16b: {  	[sflag:s11] =	ssyncadd.s32 $0xFFFFF800  }
0x16c: {  	_ =	swait.ge [sflag:s10], $0x800  }
0x16d: {  	[sflag:s10] =	ssyncset.done $0x0  }
0x16e: {  	[sflag:s10] =	ssyncadd.s32 $0xFFFFF800  }
0x16f: {  	_ =	swait.ge [sflag:s8], $0x800  }
0x170: {  	[sflag:s8] =	ssyncset.done $0x0  }
0x171: {  	[sflag:s8] =	ssyncadd.s32 $0xFFFFF800  }
0x172: {  	_ =	swait.ge [sflag:s5], $0x800  }
0x173: {  	[sflag:s5] =	ssyncset.done $0x0  }
0x174: {  	[sflag:s5] =	ssyncadd.s32 $0xFFFFF800  }
0x175: {  	_ =	swait.ge [sflag:s0], $0x800  }
0x176: {  	[sflag:s0] =	ssyncset.done $0x0  }
0x177: {  	[sflag:s0] =	ssyncadd.s32 $0xFFFFF800  }
0x178: {  	_ =	sfence.sel $0x180000  }
0x179: {  	[bflag:$0x0] =	sbarrier.arrive $0xFFFF  }
0x17a: {  	_ =	strace $0x90000047  }
0x17b: {  	s31 =	stileid.u32;
	[bflag:$0x2] =	sbarrier.arrive $0xFFFF  }
0x17c: {  	p0 =	sne.s32 s31, $0x0;
	s0 =	rddreg [dreg:$0x4]  }
0x17d: {  	s0 =	sadd.s32 @!p0 $0x100000, s0  }
0x17e: {  	[sflag:s0] =	ssyncadd.tile.s32 @!p0 $0x1;
	_ =	shalt  }
.Lfunc_end2:
_tile_overlayer_lowered:
.L_overlay_start_2:
0x17f: {  	(tag) =	ssettag $0x2  }
0x180: {  	s0 =	rddreg [dreg:$0x0];
	s2 =	stileid.u32  }
0x181: {  	s1 =	rddreg [dreg:$0x1];
	p0 =	sne.s32 s2, $0x0  }
0x182: {  	s3 =	rddreg [dreg:$0x2];
	[bflag:$0x3] =	sbarrier.arrive $0xFFFF;
	s2 =	simm.s32 @!p0 $0x1C19  }
0x183: {  	[timem:s3], [sflag:s2] =	dma.local @!p0 [hbm:s0], s1  }
0x184: {  	s0 =	simm.s32 @!p0 $0x19  }
0x185: {  	_ =	swait.ge @!p0 [sflag:s0], s1  }
0x186: {  	s1 =	ssub.s32 @!p0 $0x0, s1;
	[sflag:s0] =	ssyncset.done @!p0 $0x0  }
0x187: {  	[sflag:s0] =	ssyncadd.s32 @!p0 s1  }
0x188: {  	[bflag:$0x3] =	sbarrier.arrive $0xFFFF  }
0x189: {  	_ =	shalt  }

</sc_bundles>
